<compile_context>
chip_gen: v7x
topology: tpu7x:2x2x1
jax: 0.10.2.dev20260603
libtpu: 0.0.44.dev20260713+nightly
codegen_flags: <defaults>
</compile_context>

<pallas_src>
import functools

import jax
import jax.numpy as jnp
from jax import lax
from jax.experimental import pallas as pl
from jax.experimental.pallas import tpu as pltpu
from jax.experimental.pallas import tpu_sc as plsc

_NC = 2
_NS = 16
_NW = _NC * _NS
_CHUNK = 128

_MESH = dict(core_axis_name="c", subcore_axis_name="s")
_PARAMS = dict(compiler_params=pltpu.CompilerParams(use_tc_tiling_on_sc=False))


def _make_permute(n_idx, dp):
    per_w = n_idx // _NW
    n_chunks = per_w // _CHUNK

    @functools.partial(
        pl.kernel,
        mesh=plsc.VectorSubcoreMesh(**_MESH),
        out_type=jax.ShapeDtypeStruct((n_idx, dp), jnp.float32),
        scratch_types=[
            pltpu.VMEM((_CHUNK,), jnp.int32),
            pltpu.VMEM((_CHUNK, dp), jnp.float32),
            pltpu.SemaphoreType.DMA,
        ],
        **_PARAMS,
    )
    def k(src_hbm, idx_hbm, out_hbm, idx_v, rows_v, sem):
        wid = lax.axis_index("s") * _NC + lax.axis_index("c")
        base = wid * per_w

        def body(j, carry):
            off = base + j * _CHUNK
            pltpu.sync_copy(idx_hbm.at[pl.ds(off, _CHUNK)], idx_v)
            pltpu.async_copy(src_hbm.at[idx_v], rows_v, sem).wait()
            pltpu.sync_copy(rows_v, out_hbm.at[pl.ds(off, _CHUNK)])
            return carry

        lax.fori_loop(0, n_chunks, body, 0)

    return k


_SUP = 256
_IDXBLK = 2048


def _make_gather(n_tok, d, dp):
    per_w = n_tok // _NW
    n_sup = per_w // _SUP
    sup_per_blk = _IDXBLK // _SUP

    @functools.partial(
        pl.kernel,
        mesh=plsc.VectorSubcoreMesh(**_MESH),
        out_type=jax.ShapeDtypeStruct((n_tok, dp), jnp.float32),
        scratch_types=[
            pltpu.VMEM((2, _IDXBLK), jnp.int32),
            pltpu.VMEM((2, _SUP, d), jnp.float32),
            pltpu.SemaphoreType.DMA,
            pltpu.SemaphoreType.DMA,
            pltpu.SemaphoreType.DMA,
            pltpu.SemaphoreType.DMA,
        ],
        **_PARAMS,
    )
    def k(src_hbm, idx_hbm, out_hbm, idx_v, rows_v, g0, g1, o0, o1):
        wid = lax.axis_index("s") * _NC + lax.axis_index("c")
        base = wid * per_w
        sem_g = (g0, g1)
        sem_o = (o0, o1)

        def load_idx_blk(blk, ib):
            pltpu.sync_copy(
                idx_hbm.at[pl.ds(base + blk * _IDXBLK, _IDXBLK)],
                idx_v.at[ib])

        def fire_gathers(g, b):
            ib = (g // sup_per_blk) % 2
            loc = (g % sup_per_blk) * _SUP
            for j in range(_SUP // _CHUNK):
                pltpu.async_copy(
                    src_hbm.at[idx_v.at[ib, pl.ds(loc + j * _CHUNK, _CHUNK)]],
                    rows_v.at[b, pl.ds(j * _CHUNK, _CHUNK)],
                    sem_g[b],
                )

        def drain_gathers(b):
            pltpu.make_async_copy(
                src_hbm.at[pl.ds(0, _SUP)], rows_v.at[b], sem_g[b]
            ).wait()

        load_idx_blk(0, 0)
        for b in range(2):
            fire_gathers(b, b)

        def body(i, carry):
            for b in range(2):
                g = 2 * i + b
                drain_gathers(b)
                store = pltpu.async_copy(
                    rows_v.at[b],
                    out_hbm.at[pl.ds(base + g * _SUP, _SUP), pl.ds(0, d)],
                    sem_o[b])

                @pl.when(
                    jnp.logical_and(
                        (g + 2) % sup_per_blk == 0,
                        (g + 2) // sup_per_blk < n_sup // sup_per_blk))
                def _():
                    load_idx_blk((g + 2) // sup_per_blk,
                                 ((g + 2) // sup_per_blk) % 2)

                store.wait()

                @pl.when(g + 2 < n_sup)
                def _():
                    fire_gathers(g + 2, b)

            return carry

        lax.fori_loop(0, n_sup // 2, body, 0)

    return k


def kernel(input_ids, id_map, table):
    b, h = input_ids.shape
    v, d = table.shape
    ids_flat = input_ids.reshape(-1).astype(jnp.int32)
    idmap = id_map.astype(jnp.int32)

    grain = _NW * _CHUNK
    v_pad = ((v + grain - 1) // grain) * grain
    if v_pad != v:
        idmap = jnp.concatenate(
            [idmap, jnp.zeros((v_pad - v,), jnp.int32)])

    permute = _make_permute(v_pad, d)
    ptable = permute(table, idmap)

    gather = _make_gather(b * h, d, _CHUNK)
    out = gather(ptable, ids_flat)
    return out[:, :d].reshape(b, h, d)

# --- scband reference (transcript-rebuilt; emitter-appended) ---
"""Pipeline reference for scband-remap-token-embedding-1657857376642 (READ-ONLY COPY).

The authoritative reference and input builder live on the scoring server;
editing this copy changes nothing except your own understanding.
"""

import jax, jax.numpy as jnp
import numpy as np

VOCAB = 100000
EMBED_DIM = 64
BATCH = 16384
HIST = 200

def setup_inputs(seed: int = 0) -> dict:
    key = jax.random.key(seed)
    # id_map: a permutation of [0, VOCAB) -> every raw id maps to a valid compact id,
    # so (id_map != -1).sum() == VOCAB and the embedding table has VOCAB rows.
    id_map = jax.random.permutation(jax.random.fold_in(key, 1), VOCAB).astype(jnp.int64)
    input_ids = jax.random.randint(jax.random.fold_in(key, 2), (BATCH, HIST), 0, VOCAB, dtype=jnp.int64)
    # learned embedding table, sized per (id_map != -1).sum() == VOCAB
    table = jax.random.normal(jax.random.fold_in(key, 3), (VOCAB, EMBED_DIM), dtype=jnp.float32)
    return {"input_ids": input_ids, "id_map": id_map, "table": table}

def reference(input_ids, id_map, table):
    # faithful translation of RemapTokenEmbedding.forward
    remapped = jnp.take(id_map, input_ids, axis=0)
    out = jnp.take(table, remapped, axis=0)
    return out

if __name__ == "__main__":
    import jax
    _d = setup_inputs()
    print(jax.jit(kernel)(*tuple(_d.values())))

</pallas_src>

<mosaic_0001>
#map = affine_map<(d0, d1) -> (0, 0)>
#map1 = affine_map<(d0, d1) -> (0)>
module attributes {stable_mosaic.version = 14 : i64} {
  func.func @k(%arg0: i32, %arg1: i32, %arg2: memref<100000x64xf32, #tpu.memory_space<hbm>>, %arg3: memref<102400xi32, #tpu.memory_space<hbm>>, %arg4: memref<102400x64xf32, #tpu.memory_space<hbm>>, %arg5: memref<128xi32, #tpu.memory_space<vmem>>, %arg6: memref<128x64xf32, #tpu.memory_space<vmem>>, %arg7: memref<!tpu.dma_semaphore, #tpu.memory_space<semaphore_mem>>) attributes {dimension_semantics = [#tpu.dimension_semantics<core_parallel>, #tpu.dimension_semantics<subcore_parallel>], iteration_bounds = array<i64: 2, 16>, scalar_prefetch = 0 : i64, scratch_operands = 3 : i64, tpu.core_type = #tpu.core_type<sc_vector_subcore>, window_params = [{transform_indices = #map}, {transform_indices = #map1}, {transform_indices = #map}]} {
    %mul3A = arith.constant 2 : i32
    %mul3A_0 = arith.muli %arg1, %mul3A : i32
    %add3A = arith.addi %mul3A_0, %arg0 : i32
    %mul3A_1 = arith.constant 3200 : i32
    %mul3A_2 = arith.muli %add3A, %mul3A_1 : i32
    %scan3A = arith.constant 0 : i32
    %scan3A_3 = arith.constant 0 : i32
    %scan3A_4 = arith.constant 25 : i32
    %scan3A_5 = arith.addi %scan3A_3, %scan3A_4 : i32
    %scan3A_6 = arith.constant 1 : i32
    scf.for %scan3A_8 = %scan3A_3 to %scan3A_5 step %scan3A_6  : i32 {
      %mul3A_9 = arith.constant 128 : i32
      %mul3A_10 = arith.muli %scan3A_8, %mul3A_9 : i32
      %add3A_11 = arith.addi %mul3A_2, %mul3A_10 : i32
      "tpu.region"() ({
        %run_scoped3A = tpu.sem_alloc : memref<!tpu.dma_semaphore, #tpu.memory_space<semaphore_mem>>
        %dma_start3A_16 = tpu.memref_slice %arg3[%add3A_11] : memref<102400xi32, #tpu.memory_space<hbm>> -> memref<128xi32, #tpu.memory_space<hbm>>
        %dma_start3A_17 = tpu.memref_slice %arg3[%add3A_11] : memref<102400xi32, #tpu.memory_space<hbm>> -> memref<128xi32, #tpu.memory_space<hbm>>
        tpu.enqueue_dma source(%dma_start3A_17 : memref<128xi32, #tpu.memory_space<hbm>>) target(%arg5 : memref<128xi32, #tpu.memory_space<vmem>>) target_semaphore(%run_scoped3A : memref<!tpu.dma_semaphore, #tpu.memory_space<semaphore_mem>>)
        %dma_wait3A_18 = tpu.memref_slice %arg3[%add3A_11] : memref<102400xi32, #tpu.memory_space<hbm>> -> memref<128xi32, #tpu.memory_space<hbm>>
        %dma_wait3A_19 = tpu.memref_slice %arg3[%add3A_11] : memref<102400xi32, #tpu.memory_space<hbm>> -> memref<128xi32, #tpu.memory_space<hbm>>
        tpu.wait_dma2 semaphore(%run_scoped3A : memref<!tpu.dma_semaphore, #tpu.memory_space<semaphore_mem>>) src(%dma_wait3A_19 : memref<128xi32, #tpu.memory_space<hbm>>) dst(%arg5 : memref<128xi32, #tpu.memory_space<vmem>>)
        tpu.yield
      }) : () -> ()
      %dma_start3A = arith.constant 0 : i32
      %dma_start3A_12 = arith.constant 0 : i32
      %dma_start3A_13 = tpu.memref_slice %arg2[%dma_start3A, %dma_start3A_12] : memref<100000x64xf32, #tpu.memory_space<hbm>> -> memref<100000x64xf32, #tpu.memory_space<hbm>>
      tpu.enqueue_indirect_dma source(%dma_start3A_13 : memref<100000x64xf32, #tpu.memory_space<hbm>>) target(%arg6 : memref<128x64xf32, #tpu.memory_space<vmem>>) offsets(%arg5 : memref<128xi32, #tpu.memory_space<vmem>>) semaphore(%arg7 : memref<!tpu.dma_semaphore, #tpu.memory_space<semaphore_mem>>)
      %dma_wait3A = arith.constant 0 : i32
      %dma_wait3A_14 = arith.constant 0 : i32
      %dma_wait3A_15 = tpu.memref_slice %arg2[%dma_wait3A, %dma_wait3A_14] : memref<100000x64xf32, #tpu.memory_space<hbm>> -> memref<100000x64xf32, #tpu.memory_space<hbm>>
      tpu.wait_indirect_dma semaphore(%arg7 : memref<!tpu.dma_semaphore, #tpu.memory_space<semaphore_mem>>) src(%dma_wait3A_15 : memref<100000x64xf32, #tpu.memory_space<hbm>>) dst(%arg6 : memref<128x64xf32, #tpu.memory_space<vmem>>)
      "tpu.region"() ({
        %run_scoped3A = tpu.sem_alloc : memref<!tpu.dma_semaphore, #tpu.memory_space<semaphore_mem>>
        %dma_start3A_16 = arith.constant 0 : i32
        %dma_start3A_17 = tpu.memref_slice %arg4[%add3A_11, %dma_start3A_16] : memref<102400x64xf32, #tpu.memory_space<hbm>> -> memref<128x64xf32, #tpu.memory_space<hbm>>
        %dma_start3A_18 = arith.constant 0 : i32
        %dma_start3A_19 = tpu.memref_slice %arg4[%add3A_11, %dma_start3A_18] : memref<102400x64xf32, #tpu.memory_space<hbm>> -> memref<128x64xf32, #tpu.memory_space<hbm>>
        tpu.enqueue_dma source(%arg6 : memref<128x64xf32, #tpu.memory_space<vmem>>) target(%dma_start3A_19 : memref<128x64xf32, #tpu.memory_space<hbm>>) target_semaphore(%run_scoped3A : memref<!tpu.dma_semaphore, #tpu.memory_space<semaphore_mem>>)
        %dma_wait3A_20 = arith.constant 0 : i32
        %dma_wait3A_21 = tpu.memref_slice %arg4[%add3A_11, %dma_wait3A_20] : memref<102400x64xf32, #tpu.memory_space<hbm>> -> memref<128x64xf32, #tpu.memory_space<hbm>>
        %dma_wait3A_22 = arith.constant 0 : i32
        %dma_wait3A_23 = tpu.memref_slice %arg4[%add3A_11, %dma_wait3A_22] : memref<102400x64xf32, #tpu.memory_space<hbm>> -> memref<128x64xf32, #tpu.memory_space<hbm>>
        tpu.wait_dma2 semaphore(%run_scoped3A : memref<!tpu.dma_semaphore, #tpu.memory_space<semaphore_mem>>) src(%arg6 : memref<128x64xf32, #tpu.memory_space<vmem>>) dst(%dma_wait3A_23 : memref<128x64xf32, #tpu.memory_space<hbm>>)
        tpu.yield
      }) : () -> ()
    }
    %scan3A_7 = arith.constant 25 : i32
    return
  }
}

#map = affine_map<(d0, d1) -> (0, 0)>
#map1 = affine_map<(d0, d1) -> (0)>
module attributes {stable_mosaic.version = 14 : i64} {
  func.func @k(%arg0: i32, %arg1: i32, %arg2: memref<102400x64xf32, #tpu.memory_space<hbm>>, %arg3: memref<3276800xi32, #tpu.memory_space<hbm>>, %arg4: memref<3276800x128xf32, #tpu.memory_space<hbm>>, %arg5: memref<2x2048xi32, #tpu.memory_space<vmem>>, %arg6: memref<2x256x64xf32, #tpu.memory_space<vmem>>, %arg7: memref<!tpu.dma_semaphore, #tpu.memory_space<semaphore_mem>>, %arg8: memref<!tpu.dma_semaphore, #tpu.memory_space<semaphore_mem>>, %arg9: memref<!tpu.dma_semaphore, #tpu.memory_space<semaphore_mem>>, %arg10: memref<!tpu.dma_semaphore, #tpu.memory_space<semaphore_mem>>) attributes {dimension_semantics = [#tpu.dimension_semantics<core_parallel>, #tpu.dimension_semantics<subcore_parallel>], iteration_bounds = array<i64: 2, 16>, scalar_prefetch = 0 : i64, scratch_operands = 6 : i64, tpu.core_type = #tpu.core_type<sc_vector_subcore>, window_params = [{transform_indices = #map}, {transform_indices = #map1}, {transform_indices = #map}]} {
    %mul3A = arith.constant 2 : i32
    %mul3A_0 = arith.muli %arg1, %mul3A : i32
    %add3A = arith.addi %mul3A_0, %arg0 : i32
    %mul3A_1 = arith.constant 102400 : i32
    %mul3A_2 = arith.muli %add3A, %mul3A_1 : i32
    %add3A_3 = arith.constant 0 : i32
    %add3A_4 = arith.addi %mul3A_2, %add3A_3 : i32
    %run_scoped3A = arith.constant 0 : i32
    "tpu.region"() ({
      %run_scoped3A_57 = tpu.sem_alloc : memref<!tpu.dma_semaphore, #tpu.memory_space<semaphore_mem>>
      %dma_start3A_58 = arith.constant 0 : i32
      %dma_start3A_59 = tpu.memref_slice %arg5[%run_scoped3A, %dma_start3A_58] : memref<2x2048xi32, #tpu.memory_space<vmem>> -> memref<1x2048xi32, #tpu.memory_space<vmem>>
      %dma_start3A_60 = tpu.memref_squeeze %dma_start3A_59 : memref<1x2048xi32, #tpu.memory_space<vmem>> -> memref<2048xi32, #tpu.memory_space<vmem>>
      %dma_start3A_61 = tpu.memref_slice %arg3[%add3A_4] : memref<3276800xi32, #tpu.memory_space<hbm>> -> memref<2048xi32, #tpu.memory_space<hbm>>
      %dma_start3A_62 = arith.constant 0 : i32
      %dma_start3A_63 = tpu.memref_slice %arg5[%run_scoped3A, %dma_start3A_62] : memref<2x2048xi32, #tpu.memory_space<vmem>> -> memref<1x2048xi32, #tpu.memory_space<vmem>>
      %dma_start3A_64 = tpu.memref_squeeze %dma_start3A_63 : memref<1x2048xi32, #tpu.memory_space<vmem>> -> memref<2048xi32, #tpu.memory_space<vmem>>
      %dma_start3A_65 = tpu.memref_slice %arg3[%add3A_4] : memref<3276800xi32, #tpu.memory_space<hbm>> -> memref<2048xi32, #tpu.memory_space<hbm>>
      tpu.enqueue_dma source(%dma_start3A_65 : memref<2048xi32, #tpu.memory_space<hbm>>) target(%dma_start3A_64 : memref<2048xi32, #tpu.memory_space<vmem>>) target_semaphore(%run_scoped3A_57 : memref<!tpu.dma_semaphore, #tpu.memory_space<semaphore_mem>>)
      %dma_wait3A = arith.constant 0 : i32
      %dma_wait3A_66 = tpu.memref_slice %arg5[%run_scoped3A, %dma_wait3A] : memref<2x2048xi32, #tpu.memory_space<vmem>> -> memref<1x2048xi32, #tpu.memory_space<vmem>>
      %dma_wait3A_67 = tpu.memref_squeeze %dma_wait3A_66 : memref<1x2048xi32, #tpu.memory_space<vmem>> -> memref<2048xi32, #tpu.memory_space<vmem>>
      %dma_wait3A_68 = tpu.memref_slice %arg3[%add3A_4] : memref<3276800xi32, #tpu.memory_space<hbm>> -> memref<2048xi32, #tpu.memory_space<hbm>>
      %dma_wait3A_69 = arith.constant 0 : i32
      %dma_wait3A_70 = tpu.memref_slice %arg5[%run_scoped3A, %dma_wait3A_69] : memref<2x2048xi32, #tpu.memory_space<vmem>> -> memref<1x2048xi32, #tpu.memory_space<vmem>>
      %dma_wait3A_71 = tpu.memref_squeeze %dma_wait3A_70 : memref<1x2048xi32, #tpu.memory_space<vmem>> -> memref<2048xi32, #tpu.memory_space<vmem>>
      %dma_wait3A_72 = tpu.memref_slice %arg3[%add3A_4] : memref<3276800xi32, #tpu.memory_space<hbm>> -> memref<2048xi32, #tpu.memory_space<hbm>>
      tpu.wait_dma2 semaphore(%run_scoped3A_57 : memref<!tpu.dma_semaphore, #tpu.memory_space<semaphore_mem>>) src(%dma_wait3A_72 : memref<2048xi32, #tpu.memory_space<hbm>>) dst(%dma_wait3A_71 : memref<2048xi32, #tpu.memory_space<vmem>>)
      tpu.yield
    }) : () -> ()
    %dma_start3A = arith.constant 0 : i32
    %dma_start3A_5 = arith.constant 0 : i32
    %dma_start3A_6 = arith.constant 0 : i32
    %dma_start3A_7 = arith.constant 0 : i32
    %dma_start3A_8 = tpu.memref_slice %arg6[%dma_start3A_5, %dma_start3A_6, %dma_start3A_7] : memref<2x256x64xf32, #tpu.memory_space<vmem>> -> memref<1x128x64xf32, #tpu.memory_space<vmem>>
    %dma_start3A_9 = tpu.memref_squeeze %dma_start3A_8 : memref<1x128x64xf32, #tpu.memory_space<vmem>> -> memref<128x64xf32, #tpu.memory_space<vmem>>
    %dma_start3A_10 = arith.constant 0 : i32
    %dma_start3A_11 = tpu.memref_slice %arg5[%dma_start3A, %dma_start3A_10] : memref<2x2048xi32, #tpu.memory_space<vmem>> -> memref<1x128xi32, #tpu.memory_space<vmem>>
    %dma_start3A_12 = tpu.memref_squeeze %dma_start3A_11 : memref<1x128xi32, #tpu.memory_space<vmem>> -> memref<128xi32, #tpu.memory_space<vmem>>
    %dma_start3A_13 = arith.constant 0 : i32
    %dma_start3A_14 = arith.constant 0 : i32
    %dma_start3A_15 = tpu.memref_slice %arg2[%dma_start3A_13, %dma_start3A_14] : memref<102400x64xf32, #tpu.memory_space<hbm>> -> memref<102400x64xf32, #tpu.memory_space<hbm>>
    tpu.enqueue_indirect_dma source(%dma_start3A_15 : memref<102400x64xf32, #tpu.memory_space<hbm>>) target(%dma_start3A_9 : memref<128x64xf32, #tpu.memory_space<vmem>>) offsets(%dma_start3A_12 : memref<128xi32, #tpu.memory_space<vmem>>) semaphore(%arg7 : memref<!tpu.dma_semaphore, #tpu.memory_space<semaphore_mem>>)
    %dma_start3A_16 = arith.constant 0 : i32
    %dma_start3A_17 = arith.constant 0 : i32
    %dma_start3A_18 = arith.constant 128 : i32
    %dma_start3A_19 = arith.constant 0 : i32
    %dma_start3A_20 = tpu.memref_slice %arg6[%dma_start3A_17, %dma_start3A_18, %dma_start3A_19] : memref<2x256x64xf32, #tpu.memory_space<vmem>> -> memref<1x128x64xf32, #tpu.memory_space<vmem>>
    %dma_start3A_21 = tpu.memref_squeeze %dma_start3A_20 : memref<1x128x64xf32, #tpu.memory_space<vmem>> -> memref<128x64xf32, #tpu.memory_space<vmem>>
    %dma_start3A_22 = arith.constant 128 : i32
    %dma_start3A_23 = tpu.memref_slice %arg5[%dma_start3A_16, %dma_start3A_22] : memref<2x2048xi32, #tpu.memory_space<vmem>> -> memref<1x128xi32, #tpu.memory_space<vmem>>
    %dma_start3A_24 = tpu.memref_squeeze %dma_start3A_23 : memref<1x128xi32, #tpu.memory_space<vmem>> -> memref<128xi32, #tpu.memory_space<vmem>>
    %dma_start3A_25 = arith.constant 0 : i32
    %dma_start3A_26 = arith.constant 0 : i32
    %dma_start3A_27 = tpu.memref_slice %arg2[%dma_start3A_25, %dma_start3A_26] : memref<102400x64xf32, #tpu.memory_space<hbm>> -> memref<102400x64xf32, #tpu.memory_space<hbm>>
    tpu.enqueue_indirect_dma source(%dma_start3A_27 : memref<102400x64xf32, #tpu.memory_space<hbm>>) target(%dma_start3A_21 : memref<128x64xf32, #tpu.memory_space<vmem>>) offsets(%dma_start3A_24 : memref<128xi32, #tpu.memory_space<vmem>>) semaphore(%arg7 : memref<!tpu.dma_semaphore, #tpu.memory_space<semaphore_mem>>)
    %dma_start3A_28 = arith.constant 0 : i32
    %dma_start3A_29 = arith.constant 1 : i32
    %dma_start3A_30 = arith.constant 0 : i32
    %dma_start3A_31 = arith.constant 0 : i32
    %dma_start3A_32 = tpu.memref_slice %arg6[%dma_start3A_29, %dma_start3A_30, %dma_start3A_31] : memref<2x256x64xf32, #tpu.memory_space<vmem>> -> memref<1x128x64xf32, #tpu.memory_space<vmem>>
    %dma_start3A_33 = tpu.memref_squeeze %dma_start3A_32 : memref<1x128x64xf32, #tpu.memory_space<vmem>> -> memref<128x64xf32, #tpu.memory_space<vmem>>
    %dma_start3A_34 = arith.constant 256 : i32
    %dma_start3A_35 = tpu.memref_slice %arg5[%dma_start3A_28, %dma_start3A_34] : memref<2x2048xi32, #tpu.memory_space<vmem>> -> memref<1x128xi32, #tpu.memory_space<vmem>>
    %dma_start3A_36 = tpu.memref_squeeze %dma_start3A_35 : memref<1x128xi32, #tpu.memory_space<vmem>> -> memref<128xi32, #tpu.memory_space<vmem>>
    %dma_start3A_37 = arith.constant 0 : i32
    %dma_start3A_38 = arith.constant 0 : i32
    %dma_start3A_39 = tpu.memref_slice %arg2[%dma_start3A_37, %dma_start3A_38] : memref<102400x64xf32, #tpu.memory_space<hbm>> -> memref<102400x64xf32, #tpu.memory_space<hbm>>
    tpu.enqueue_indirect_dma source(%dma_start3A_39 : memref<102400x64xf32, #tpu.memory_space<hbm>>) target(%dma_start3A_33 : memref<128x64xf32, #tpu.memory_space<vmem>>) offsets(%dma_start3A_36 : memref<128xi32, #tpu.memory_space<vmem>>) semaphore(%arg8 : memref<!tpu.dma_semaphore, #tpu.memory_space<semaphore_mem>>)
    %dma_start3A_40 = arith.constant 0 : i32
    %dma_start3A_41 = arith.constant 1 : i32
    %dma_start3A_42 = arith.constant 128 : i32
    %dma_start3A_43 = arith.constant 0 : i32
    %dma_start3A_44 = tpu.memref_slice %arg6[%dma_start3A_41, %dma_start3A_42, %dma_start3A_43] : memref<2x256x64xf32, #tpu.memory_space<vmem>> -> memref<1x128x64xf32, #tpu.memory_space<vmem>>
    %dma_start3A_45 = tpu.memref_squeeze %dma_start3A_44 : memref<1x128x64xf32, #tpu.memory_space<vmem>> -> memref<128x64xf32, #tpu.memory_space<vmem>>
    %dma_start3A_46 = arith.constant 384 : i32
    %dma_start3A_47 = tpu.memref_slice %arg5[%dma_start3A_40, %dma_start3A_46] : memref<2x2048xi32, #tpu.memory_space<vmem>> -> memref<1x128xi32, #tpu.memory_space<vmem>>
    %dma_start3A_48 = tpu.memref_squeeze %dma_start3A_47 : memref<1x128xi32, #tpu.memory_space<vmem>> -> memref<128xi32, #tpu.memory_space<vmem>>
    %dma_start3A_49 = arith.constant 0 : i32
    %dma_start3A_50 = arith.constant 0 : i32
    %dma_start3A_51 = tpu.memref_slice %arg2[%dma_start3A_49, %dma_start3A_50] : memref<102400x64xf32, #tpu.memory_space<hbm>> -> memref<102400x64xf32, #tpu.memory_space<hbm>>
    tpu.enqueue_indirect_dma source(%dma_start3A_51 : memref<102400x64xf32, #tpu.memory_space<hbm>>) target(%dma_start3A_45 : memref<128x64xf32, #tpu.memory_space<vmem>>) offsets(%dma_start3A_48 : memref<128xi32, #tpu.memory_space<vmem>>) semaphore(%arg8 : memref<!tpu.dma_semaphore, #tpu.memory_space<semaphore_mem>>)
    %scan3A = arith.constant 0 : i32
    %scan3A_52 = arith.constant 0 : i32
    %scan3A_53 = arith.constant 200 : i32
    %scan3A_54 = arith.addi %scan3A_52, %scan3A_53 : i32
    %scan3A_55 = arith.constant 1 : i32
    scf.for %scan3A_57 = %scan3A_52 to %scan3A_54 step %scan3A_55  : i32 {
      %mul3A_58 = arith.constant 2 : i32
      %mul3A_59 = arith.muli %mul3A_58, %scan3A_57 : i32
      %add3A_60 = arith.constant 0 : i32
      %add3A_61 = arith.addi %mul3A_59, %add3A_60 : i32
      %dma_wait3A = arith.constant 0 : i32
      %dma_wait3A_62 = arith.constant 0 : i32
      %dma_wait3A_63 = arith.constant 0 : i32
      %dma_wait3A_64 = tpu.memref_slice %arg6[%dma_wait3A, %dma_wait3A_62, %dma_wait3A_63] : memref<2x256x64xf32, #tpu.memory_space<vmem>> -> memref<1x256x64xf32, #tpu.memory_space<vmem>>
      %dma_wait3A_65 = tpu.memref_squeeze %dma_wait3A_64 : memref<1x256x64xf32, #tpu.memory_space<vmem>> -> memref<256x64xf32, #tpu.memory_space<vmem>>
      %dma_wait3A_66 = arith.constant 0 : i32
      %dma_wait3A_67 = arith.constant 0 : i32
      %dma_wait3A_68 = tpu.memref_slice %arg2[%dma_wait3A_66, %dma_wait3A_67] : memref<102400x64xf32, #tpu.memory_space<hbm>> -> memref<256x64xf32, #tpu.memory_space<hbm>>
      %dma_wait3A_69 = arith.constant 0 : i32
      %dma_wait3A_70 = arith.constant 0 : i32
      %dma_wait3A_71 = tpu.memref_slice %arg6[%dma_wait3A, %dma_wait3A_69, %dma_wait3A_70] : memref<2x256x64xf32, #tpu.memory_space<vmem>> -> memref<1x256x64xf32, #tpu.memory_space<vmem>>
      %dma_wait3A_72 = tpu.memref_squeeze %dma_wait3A_71 : memref<1x256x64xf32, #tpu.memory_space<vmem>> -> memref<256x64xf32, #tpu.memory_space<vmem>>
      %dma_wait3A_73 = arith.constant 0 : i32
      %dma_wait3A_74 = arith.constant 0 : i32
      %dma_wait3A_75 = tpu.memref_slice %arg2[%dma_wait3A_73, %dma_wait3A_74] : memref<102400x64xf32, #tpu.memory_space<hbm>> -> memref<256x64xf32, #tpu.memory_space<hbm>>
      tpu.wait_dma2 semaphore(%arg7 : memref<!tpu.dma_semaphore, #tpu.memory_space<semaphore_mem>>) src(%dma_wait3A_75 : memref<256x64xf32, #tpu.memory_space<hbm>>) dst(%dma_wait3A_72 : memref<256x64xf32, #tpu.memory_space<vmem>>)
      %mul3A_76 = arith.constant 256 : i32
      %mul3A_77 = arith.muli %add3A_61, %mul3A_76 : i32
      %add3A_78 = arith.addi %mul3A_2, %mul3A_77 : i32
      %dma_start3A_79 = arith.constant 0 : i32
      %dma_start3A_80 = arith.constant 0 : i32
      %dma_start3A_81 = arith.constant 0 : i32
      %dma_start3A_82 = tpu.memref_slice %arg6[%dma_start3A_79, %dma_start3A_80, %dma_start3A_81] : memref<2x256x64xf32, #tpu.memory_space<vmem>> -> memref<1x256x64xf32, #tpu.memory_space<vmem>>
      %dma_start3A_83 = tpu.memref_squeeze %dma_start3A_82 : memref<1x256x64xf32, #tpu.memory_space<vmem>> -> memref<256x64xf32, #tpu.memory_space<vmem>>
      %dma_start3A_84 = arith.constant 0 : i32
      %dma_start3A_85 = tpu.memref_slice %arg4[%add3A_78, %dma_start3A_84] : memref<3276800x128xf32, #tpu.memory_space<hbm>> -> memref<256x64xf32, #tpu.memory_space<hbm>>
      %dma_start3A_86 = arith.constant 0 : i32
      %dma_start3A_87 = tpu.memref_slice %arg4[%add3A_78, %dma_start3A_86] : memref<3276800x128xf32, #tpu.memory_space<hbm>> -> memref<256x64xf32, #tpu.memory_space<hbm>>
      %dma_start3A_88 = arith.constant 0 : i32
      %dma_start3A_89 = arith.constant 0 : i32
      %dma_start3A_90 = tpu.memref_slice %arg6[%dma_start3A_79, %dma_start3A_88, %dma_start3A_89] : memref<2x256x64xf32, #tpu.memory_space<vmem>> -> memref<1x256x64xf32, #tpu.memory_space<vmem>>
      %dma_start3A_91 = tpu.memref_squeeze %dma_start3A_90 : memref<1x256x64xf32, #tpu.memory_space<vmem>> -> memref<256x64xf32, #tpu.memory_space<vmem>>
      tpu.enqueue_dma source(%dma_start3A_91 : memref<256x64xf32, #tpu.memory_space<vmem>>) target(%dma_start3A_87 : memref<256x64xf32, #tpu.memory_space<hbm>>) target_semaphore(%arg9 : memref<!tpu.dma_semaphore, #tpu.memory_space<semaphore_mem>>)
      %add3A_92 = arith.constant 2 : i32
      %add3A_93 = arith.addi %add3A_61, %add3A_92 : i32
      %jit3A = arith.constant 8 : i32
      %eq3A = arith.constant 0 : i32
      %eq3A_94 = arith.cmpi eq, %jit3A, %eq3A : i32
      %jit3A_95 = arith.constant 1 : i32
      %select_n3A = arith.select %eq3A_94, %jit3A_95, %jit3A : i32
      %rem3A = arith.remsi %add3A_93, %select_n3A : i32
      %ne3A = arith.constant 0 : i32
      %ne3A_96 = arith.cmpi ne, %rem3A, %ne3A : i32
      %lt3A = arith.constant 0 : i32
      %lt3A_97 = arith.cmpi slt, %rem3A, %lt3A : i32
      %lt3A_98 = arith.constant 0 : i32
      %lt3A_99 = arith.cmpi slt, %select_n3A, %lt3A_98 : i32
      %ne3A_100 = arith.xori %lt3A_97, %lt3A_99 : i1
      %and3A = arith.andi %ne3A_100, %ne3A_96 : i1
      %add3A_101 = arith.addi %rem3A, %select_n3A : i32
      %select_n3A_102 = arith.select %and3A, %add3A_101, %rem3A : i32
      %eq3A_103 = arith.constant 0 : i32
      %eq3A_104 = arith.cmpi eq, %select_n3A_102, %eq3A_103 : i32
      %add3A_105 = arith.constant 2 : i32
      %add3A_106 = arith.addi %add3A_61, %add3A_105 : i32
      %jit3A_107 = arith.constant 8 : i32
      %div3A = arith.divsi %add3A_106, %jit3A_107 : i32
      %sign3A = arith.constant 0 : i32
      %sign3A_108 = arith.cmpi sgt, %add3A_106, %sign3A : i32
      %sign3A_109 = arith.extui %sign3A_108 : i1 to i32
      %sign3A_110 = arith.constant 0 : i32
      %sign3A_111 = arith.cmpi slt, %add3A_106, %sign3A_110 : i32
      %sign3A_112 = arith.extui %sign3A_111 : i1 to i32
      %sign3A_113 = arith.subi %sign3A_109, %sign3A_112 : i32
      %sign3A_114 = arith.constant 0 : i32
      %sign3A_115 = arith.cmpi sgt, %jit3A_107, %sign3A_114 : i32
      %sign3A_116 = arith.extui %sign3A_115 : i1 to i32
      %sign3A_117 = arith.constant 0 : i32
      %sign3A_118 = arith.cmpi slt, %jit3A_107, %sign3A_117 : i32
      %sign3A_119 = arith.extui %sign3A_118 : i1 to i32
      %sign3A_120 = arith.subi %sign3A_116, %sign3A_119 : i32
      %ne3A_121 = arith.cmpi ne, %sign3A_113, %sign3A_120 : i32
      %rem3A_122 = arith.remsi %add3A_106, %jit3A_107 : i32
      %ne3A_123 = arith.constant 0 : i32
      %ne3A_124 = arith.cmpi ne, %rem3A_122, %ne3A_123 : i32
      %and3A_125 = arith.andi %ne3A_121, %ne3A_124 : i1
      %sub3A = arith.constant 1 : i32
      %sub3A_126 = arith.subi %div3A, %sub3A : i32
      %select_n3A_127 = arith.select %and3A_125, %sub3A_126, %div3A : i32
      %lt3A_128 = arith.constant 50 : i32
      %lt3A_129 = arith.cmpi slt, %select_n3A_127, %lt3A_128 : i32
      %and3A_130 = arith.andi %eq3A_104, %lt3A_129 : i1
      %convert_element_type3A = arith.extui %and3A_130 : i1 to i32
      %cond3A = arith.constant 0 : i32
      %cond3A_131 = arith.cmpi ne, %convert_element_type3A, %cond3A : i32
      scf.if %cond3A_131 {
        %add3A_259 = arith.constant 2 : i32
        %add3A_260 = arith.addi %add3A_61, %add3A_259 : i32
        %jit3A_261 = arith.constant 8 : i32
        %div3A_262 = arith.divsi %add3A_260, %jit3A_261 : i32
        %sign3A_263 = arith.constant 0 : i32
        %sign3A_264 = arith.cmpi sgt, %add3A_260, %sign3A_263 : i32
        %sign3A_265 = arith.extui %sign3A_264 : i1 to i32
        %sign3A_266 = arith.constant 0 : i32
        %sign3A_267 = arith.cmpi slt, %add3A_260, %sign3A_266 : i32
        %sign3A_268 = arith.extui %sign3A_267 : i1 to i32
        %sign3A_269 = arith.subi %sign3A_265, %sign3A_268 : i32
        %sign3A_270 = arith.constant 0 : i32
        %sign3A_271 = arith.cmpi sgt, %jit3A_261, %sign3A_270 : i32
        %sign3A_272 = arith.extui %sign3A_271 : i1 to i32
        %sign3A_273 = arith.constant 0 : i32
        %sign3A_274 = arith.cmpi slt, %jit3A_261, %sign3A_273 : i32
        %sign3A_275 = arith.extui %sign3A_274 : i1 to i32
        %sign3A_276 = arith.subi %sign3A_272, %sign3A_275 : i32
        %ne3A_277 = arith.cmpi ne, %sign3A_269, %sign3A_276 : i32
        %rem3A_278 = arith.remsi %add3A_260, %jit3A_261 : i32
        %ne3A_279 = arith.constant 0 : i32
        %ne3A_280 = arith.cmpi ne, %rem3A_278, %ne3A_279 : i32
        %and3A_281 = arith.andi %ne3A_277, %ne3A_280 : i1
        %sub3A_282 = arith.constant 1 : i32
        %sub3A_283 = arith.subi %div3A_262, %sub3A_282 : i32
        %select_n3A_284 = arith.select %and3A_281, %sub3A_283, %div3A_262 : i32
        %add3A_285 = arith.constant 2 : i32
        %add3A_286 = arith.addi %add3A_61, %add3A_285 : i32
        %jit3A_287 = arith.constant 8 : i32
        %div3A_288 = arith.divsi %add3A_286, %jit3A_287 : i32
        %sign3A_289 = arith.constant 0 : i32
        %sign3A_290 = arith.cmpi sgt, %add3A_286, %sign3A_289 : i32
        %sign3A_291 = arith.extui %sign3A_290 : i1 to i32
        %sign3A_292 = arith.constant 0 : i32
        %sign3A_293 = arith.cmpi slt, %add3A_286, %sign3A_292 : i32
        %sign3A_294 = arith.extui %sign3A_293 : i1 to i32
        %sign3A_295 = arith.subi %sign3A_291, %sign3A_294 : i32
        %sign3A_296 = arith.constant 0 : i32
        %sign3A_297 = arith.cmpi sgt, %jit3A_287, %sign3A_296 : i32
        %sign3A_298 = arith.extui %sign3A_297 : i1 to i32
        %sign3A_299 = arith.constant 0 : i32
        %sign3A_300 = arith.cmpi slt, %jit3A_287, %sign3A_299 : i32
        %sign3A_301 = arith.extui %sign3A_300 : i1 to i32
        %sign3A_302 = arith.subi %sign3A_298, %sign3A_301 : i32
        %ne3A_303 = arith.cmpi ne, %sign3A_295, %sign3A_302 : i32
        %rem3A_304 = arith.remsi %add3A_286, %jit3A_287 : i32
        %ne3A_305 = arith.constant 0 : i32
        %ne3A_306 = arith.cmpi ne, %rem3A_304, %ne3A_305 : i32
        %and3A_307 = arith.andi %ne3A_303, %ne3A_306 : i1
        %sub3A_308 = arith.constant 1 : i32
        %sub3A_309 = arith.subi %div3A_288, %sub3A_308 : i32
        %select_n3A_310 = arith.select %and3A_307, %sub3A_309, %div3A_288 : i32
        %jit3A_311 = arith.constant 2 : i32
        %eq3A_312 = arith.constant 0 : i32
        %eq3A_313 = arith.cmpi eq, %jit3A_311, %eq3A_312 : i32
        %jit3A_314 = arith.constant 1 : i32
        %select_n3A_315 = arith.select %eq3A_313, %jit3A_314, %jit3A_311 : i32
        %rem3A_316 = arith.remsi %select_n3A_310, %select_n3A_315 : i32
        %ne3A_317 = arith.constant 0 : i32
        %ne3A_318 = arith.cmpi ne, %rem3A_316, %ne3A_317 : i32
        %lt3A_319 = arith.constant 0 : i32
        %lt3A_320 = arith.cmpi slt, %rem3A_316, %lt3A_319 : i32
        %lt3A_321 = arith.constant 0 : i32
        %lt3A_322 = arith.cmpi slt, %select_n3A_315, %lt3A_321 : i32
        %ne3A_323 = arith.xori %lt3A_320, %lt3A_322 : i1
        %and3A_324 = arith.andi %ne3A_323, %ne3A_318 : i1
        %add3A_325 = arith.addi %rem3A_316, %select_n3A_315 : i32
        %select_n3A_326 = arith.select %and3A_324, %add3A_325, %rem3A_316 : i32
        %mul3A_327 = arith.constant 2048 : i32
        %mul3A_328 = arith.muli %select_n3A_284, %mul3A_327 : i32
        %add3A_329 = arith.addi %mul3A_2, %mul3A_328 : i32
        "tpu.region"() ({
          %run_scoped3A_330 = tpu.sem_alloc : memref<!tpu.dma_semaphore, #tpu.memory_space<semaphore_mem>>
          %dma_start3A_331 = arith.constant 0 : i32
          %dma_start3A_332 = tpu.memref_slice %arg5[%select_n3A_326, %dma_start3A_331] : memref<2x2048xi32, #tpu.memory_space<vmem>> -> memref<1x2048xi32, #tpu.memory_space<vmem>>
          %dma_start3A_333 = tpu.memref_squeeze %dma_start3A_332 : memref<1x2048xi32, #tpu.memory_space<vmem>> -> memref<2048xi32, #tpu.memory_space<vmem>>
          %dma_start3A_334 = tpu.memref_slice %arg3[%add3A_329] : memref<3276800xi32, #tpu.memory_space<hbm>> -> memref<2048xi32, #tpu.memory_space<hbm>>
          %dma_start3A_335 = arith.constant 0 : i32
          %dma_start3A_336 = tpu.memref_slice %arg5[%select_n3A_326, %dma_start3A_335] : memref<2x2048xi32, #tpu.memory_space<vmem>> -> memref<1x2048xi32, #tpu.memory_space<vmem>>
          %dma_start3A_337 = tpu.memref_squeeze %dma_start3A_336 : memref<1x2048xi32, #tpu.memory_space<vmem>> -> memref<2048xi32, #tpu.memory_space<vmem>>
          %dma_start3A_338 = tpu.memref_slice %arg3[%add3A_329] : memref<3276800xi32, #tpu.memory_space<hbm>> -> memref<2048xi32, #tpu.memory_space<hbm>>
          tpu.enqueue_dma source(%dma_start3A_338 : memref<2048xi32, #tpu.memory_space<hbm>>) target(%dma_start3A_337 : memref<2048xi32, #tpu.memory_space<vmem>>) target_semaphore(%run_scoped3A_330 : memref<!tpu.dma_semaphore, #tpu.memory_space<semaphore_mem>>)
          %dma_wait3A_339 = arith.constant 0 : i32
          %dma_wait3A_340 = tpu.memref_slice %arg5[%select_n3A_326, %dma_wait3A_339] : memref<2x2048xi32, #tpu.memory_space<vmem>> -> memref<1x2048xi32, #tpu.memory_space<vmem>>
          %dma_wait3A_341 = tpu.memref_squeeze %dma_wait3A_340 : memref<1x2048xi32, #tpu.memory_space<vmem>> -> memref<2048xi32, #tpu.memory_space<vmem>>
          %dma_wait3A_342 = tpu.memref_slice %arg3[%add3A_329] : memref<3276800xi32, #tpu.memory_space<hbm>> -> memref<2048xi32, #tpu.memory_space<hbm>>
          %dma_wait3A_343 = arith.constant 0 : i32
          %dma_wait3A_344 = tpu.memref_slice %arg5[%select_n3A_326, %dma_wait3A_343] : memref<2x2048xi32, #tpu.memory_space<vmem>> -> memref<1x2048xi32, #tpu.memory_space<vmem>>
          %dma_wait3A_345 = tpu.memref_squeeze %dma_wait3A_344 : memref<1x2048xi32, #tpu.memory_space<vmem>> -> memref<2048xi32, #tpu.memory_space<vmem>>
          %dma_wait3A_346 = tpu.memref_slice %arg3[%add3A_329] : memref<3276800xi32, #tpu.memory_space<hbm>> -> memref<2048xi32, #tpu.memory_space<hbm>>
          tpu.wait_dma2 semaphore(%run_scoped3A_330 : memref<!tpu.dma_semaphore, #tpu.memory_space<semaphore_mem>>) src(%dma_wait3A_346 : memref<2048xi32, #tpu.memory_space<hbm>>) dst(%dma_wait3A_345 : memref<2048xi32, #tpu.memory_space<vmem>>)
          tpu.yield
        }) : () -> ()
      } else {
      }
      %dma_wait3A_132 = arith.constant 0 : i32
      %dma_wait3A_133 = arith.constant 0 : i32
      %dma_wait3A_134 = arith.constant 0 : i32
      %dma_wait3A_135 = tpu.memref_slice %arg6[%dma_wait3A_132, %dma_wait3A_133, %dma_wait3A_134] : memref<2x256x64xf32, #tpu.memory_space<vmem>> -> memref<1x256x64xf32, #tpu.memory_space<vmem>>
      %dma_wait3A_136 = tpu.memref_squeeze %dma_wait3A_135 : memref<1x256x64xf32, #tpu.memory_space<vmem>> -> memref<256x64xf32, #tpu.memory_space<vmem>>
      %dma_wait3A_137 = arith.constant 0 : i32
      %dma_wait3A_138 = tpu.memref_slice %arg4[%add3A_78, %dma_wait3A_137] : memref<3276800x128xf32, #tpu.memory_space<hbm>> -> memref<256x64xf32, #tpu.memory_space<hbm>>
      %dma_wait3A_139 = arith.constant 0 : i32
      %dma_wait3A_140 = tpu.memref_slice %arg4[%add3A_78, %dma_wait3A_139] : memref<3276800x128xf32, #tpu.memory_space<hbm>> -> memref<256x64xf32, #tpu.memory_space<hbm>>
      %dma_wait3A_141 = arith.constant 0 : i32
      %dma_wait3A_142 = arith.constant 0 : i32
      %dma_wait3A_143 = tpu.memref_slice %arg6[%dma_wait3A_132, %dma_wait3A_141, %dma_wait3A_142] : memref<2x256x64xf32, #tpu.memory_space<vmem>> -> memref<1x256x64xf32, #tpu.memory_space<vmem>>
      %dma_wait3A_144 = tpu.memref_squeeze %dma_wait3A_143 : memref<1x256x64xf32, #tpu.memory_space<vmem>> -> memref<256x64xf32, #tpu.memory_space<vmem>>
      tpu.wait_dma2 semaphore(%arg9 : memref<!tpu.dma_semaphore, #tpu.memory_space<semaphore_mem>>) src(%dma_wait3A_144 : memref<256x64xf32, #tpu.memory_space<vmem>>) dst(%dma_wait3A_140 : memref<256x64xf32, #tpu.memory_space<hbm>>)
      %add3A_145 = arith.constant 2 : i32
      %add3A_146 = arith.addi %add3A_61, %add3A_145 : i32
      %lt3A_147 = arith.constant 400 : i32
      %lt3A_148 = arith.cmpi slt, %add3A_146, %lt3A_147 : i32
      %convert_element_type3A_149 = arith.extui %lt3A_148 : i1 to i32
      %cond3A_150 = arith.constant 0 : i32
      %cond3A_151 = arith.cmpi ne, %convert_element_type3A_149, %cond3A_150 : i32
      scf.if %cond3A_151 {
        %add3A_259 = arith.constant 2 : i32
        %add3A_260 = arith.addi %add3A_61, %add3A_259 : i32
        %jit3A_261 = arith.constant 8 : i32
        %div3A_262 = arith.divsi %add3A_260, %jit3A_261 : i32
        %sign3A_263 = arith.constant 0 : i32
        %sign3A_264 = arith.cmpi sgt, %add3A_260, %sign3A_263 : i32
        %sign3A_265 = arith.extui %sign3A_264 : i1 to i32
        %sign3A_266 = arith.constant 0 : i32
        %sign3A_267 = arith.cmpi slt, %add3A_260, %sign3A_266 : i32
        %sign3A_268 = arith.extui %sign3A_267 : i1 to i32
        %sign3A_269 = arith.subi %sign3A_265, %sign3A_268 : i32
        %sign3A_270 = arith.constant 0 : i32
        %sign3A_271 = arith.cmpi sgt, %jit3A_261, %sign3A_270 : i32
        %sign3A_272 = arith.extui %sign3A_271 : i1 to i32
        %sign3A_273 = arith.constant 0 : i32
        %sign3A_274 = arith.cmpi slt, %jit3A_261, %sign3A_273 : i32
        %sign3A_275 = arith.extui %sign3A_274 : i1 to i32
        %sign3A_276 = arith.subi %sign3A_272, %sign3A_275 : i32
        %ne3A_277 = arith.cmpi ne, %sign3A_269, %sign3A_276 : i32
        %rem3A_278 = arith.remsi %add3A_260, %jit3A_261 : i32
        %ne3A_279 = arith.constant 0 : i32
        %ne3A_280 = arith.cmpi ne, %rem3A_278, %ne3A_279 : i32
        %and3A_281 = arith.andi %ne3A_277, %ne3A_280 : i1
        %sub3A_282 = arith.constant 1 : i32
        %sub3A_283 = arith.subi %div3A_262, %sub3A_282 : i32
        %select_n3A_284 = arith.select %and3A_281, %sub3A_283, %div3A_262 : i32
        %jit3A_285 = arith.constant 2 : i32
        %eq3A_286 = arith.constant 0 : i32
        %eq3A_287 = arith.cmpi eq, %jit3A_285, %eq3A_286 : i32
        %jit3A_288 = arith.constant 1 : i32
        %select_n3A_289 = arith.select %eq3A_287, %jit3A_288, %jit3A_285 : i32
        %rem3A_290 = arith.remsi %select_n3A_284, %select_n3A_289 : i32
        %ne3A_291 = arith.constant 0 : i32
        %ne3A_292 = arith.cmpi ne, %rem3A_290, %ne3A_291 : i32
        %lt3A_293 = arith.constant 0 : i32
        %lt3A_294 = arith.cmpi slt, %rem3A_290, %lt3A_293 : i32
        %lt3A_295 = arith.constant 0 : i32
        %lt3A_296 = arith.cmpi slt, %select_n3A_289, %lt3A_295 : i32
        %ne3A_297 = arith.xori %lt3A_294, %lt3A_296 : i1
        %and3A_298 = arith.andi %ne3A_297, %ne3A_292 : i1
        %add3A_299 = arith.addi %rem3A_290, %select_n3A_289 : i32
        %select_n3A_300 = arith.select %and3A_298, %add3A_299, %rem3A_290 : i32
        %jit3A_301 = arith.constant 8 : i32
        %eq3A_302 = arith.constant 0 : i32
        %eq3A_303 = arith.cmpi eq, %jit3A_301, %eq3A_302 : i32
        %jit3A_304 = arith.constant 1 : i32
        %select_n3A_305 = arith.select %eq3A_303, %jit3A_304, %jit3A_301 : i32
        %rem3A_306 = arith.remsi %add3A_260, %select_n3A_305 : i32
        %ne3A_307 = arith.constant 0 : i32
        %ne3A_308 = arith.cmpi ne, %rem3A_306, %ne3A_307 : i32
        %lt3A_309 = arith.constant 0 : i32
        %lt3A_310 = arith.cmpi slt, %rem3A_306, %lt3A_309 : i32
        %lt3A_311 = arith.constant 0 : i32
        %lt3A_312 = arith.cmpi slt, %select_n3A_305, %lt3A_311 : i32
        %ne3A_313 = arith.xori %lt3A_310, %lt3A_312 : i1
        %and3A_314 = arith.andi %ne3A_313, %ne3A_308 : i1
        %add3A_315 = arith.addi %rem3A_306, %select_n3A_305 : i32
        %select_n3A_316 = arith.select %and3A_314, %add3A_315, %rem3A_306 : i32
        %mul3A_317 = arith.constant 256 : i32
        %mul3A_318 = arith.muli %select_n3A_316, %mul3A_317 : i32
        %add3A_319 = arith.constant 0 : i32
        %add3A_320 = arith.addi %mul3A_318, %add3A_319 : i32
        %dma_start3A_321 = arith.constant 0 : i32
        %dma_start3A_322 = arith.constant 0 : i32
        %dma_start3A_323 = arith.constant 0 : i32
        %dma_start3A_324 = tpu.memref_slice %arg6[%dma_start3A_321, %dma_start3A_322, %dma_start3A_323] : memref<2x256x64xf32, #tpu.memory_space<vmem>> -> memref<1x128x64xf32, #tpu.memory_space<vmem>>
        %dma_start3A_325 = tpu.memref_squeeze %dma_start3A_324 : memref<1x128x64xf32, #tpu.memory_space<vmem>> -> memref<128x64xf32, #tpu.memory_space<vmem>>
        %dma_start3A_326 = tpu.memref_slice %arg5[%select_n3A_300, %add3A_320] : memref<2x2048xi32, #tpu.memory_space<vmem>> -> memref<1x128xi32, #tpu.memory_space<vmem>>
        %dma_start3A_327 = tpu.memref_squeeze %dma_start3A_326 : memref<1x128xi32, #tpu.memory_space<vmem>> -> memref<128xi32, #tpu.memory_space<vmem>>
        %dma_start3A_328 = arith.constant 0 : i32
        %dma_start3A_329 = arith.constant 0 : i32
        %dma_start3A_330 = tpu.memref_slice %arg2[%dma_start3A_328, %dma_start3A_329] : memref<102400x64xf32, #tpu.memory_space<hbm>> -> memref<102400x64xf32, #tpu.memory_space<hbm>>
        tpu.enqueue_indirect_dma source(%dma_start3A_330 : memref<102400x64xf32, #tpu.memory_space<hbm>>) target(%dma_start3A_325 : memref<128x64xf32, #tpu.memory_space<vmem>>) offsets(%dma_start3A_327 : memref<128xi32, #tpu.memory_space<vmem>>) semaphore(%arg7 : memref<!tpu.dma_semaphore, #tpu.memory_space<semaphore_mem>>)
        %add3A_331 = arith.constant 128 : i32
        %add3A_332 = arith.addi %mul3A_318, %add3A_331 : i32
        %dma_start3A_333 = arith.constant 0 : i32
        %dma_start3A_334 = arith.constant 128 : i32
        %dma_start3A_335 = arith.constant 0 : i32
        %dma_start3A_336 = tpu.memref_slice %arg6[%dma_start3A_333, %dma_start3A_334, %dma_start3A_335] : memref<2x256x64xf32, #tpu.memory_space<vmem>> -> memref<1x128x64xf32, #tpu.memory_space<vmem>>
        %dma_start3A_337 = tpu.memref_squeeze %dma_start3A_336 : memref<1x128x64xf32, #tpu.memory_space<vmem>> -> memref<128x64xf32, #tpu.memory_space<vmem>>
        %dma_start3A_338 = tpu.memref_slice %arg5[%select_n3A_300, %add3A_332] : memref<2x2048xi32, #tpu.memory_space<vmem>> -> memref<1x128xi32, #tpu.memory_space<vmem>>
        %dma_start3A_339 = tpu.memref_squeeze %dma_start3A_338 : memref<1x128xi32, #tpu.memory_space<vmem>> -> memref<128xi32, #tpu.memory_space<vmem>>
        %dma_start3A_340 = arith.constant 0 : i32
        %dma_start3A_341 = arith.constant 0 : i32
        %dma_start3A_342 = tpu.memref_slice %arg2[%dma_start3A_340, %dma_start3A_341] : memref<102400x64xf32, #tpu.memory_space<hbm>> -> memref<102400x64xf32, #tpu.memory_space<hbm>>
        tpu.enqueue_indirect_dma source(%dma_start3A_342 : memref<102400x64xf32, #tpu.memory_space<hbm>>) target(%dma_start3A_337 : memref<128x64xf32, #tpu.memory_space<vmem>>) offsets(%dma_start3A_339 : memref<128xi32, #tpu.memory_space<vmem>>) semaphore(%arg7 : memref<!tpu.dma_semaphore, #tpu.memory_space<semaphore_mem>>)
      } else {
      }
      %mul3A_152 = arith.constant 2 : i32
      %mul3A_153 = arith.muli %mul3A_152, %scan3A_57 : i32
      %add3A_154 = arith.constant 1 : i32
      %add3A_155 = arith.addi %mul3A_153, %add3A_154 : i32
      %dma_wait3A_156 = arith.constant 1 : i32
      %dma_wait3A_157 = arith.constant 0 : i32
      %dma_wait3A_158 = arith.constant 0 : i32
      %dma_wait3A_159 = tpu.memref_slice %arg6[%dma_wait3A_156, %dma_wait3A_157, %dma_wait3A_158] : memref<2x256x64xf32, #tpu.memory_space<vmem>> -> memref<1x256x64xf32, #tpu.memory_space<vmem>>
      %dma_wait3A_160 = tpu.memref_squeeze %dma_wait3A_159 : memref<1x256x64xf32, #tpu.memory_space<vmem>> -> memref<256x64xf32, #tpu.memory_space<vmem>>
      %dma_wait3A_161 = arith.constant 0 : i32
      %dma_wait3A_162 = arith.constant 0 : i32
      %dma_wait3A_163 = tpu.memref_slice %arg2[%dma_wait3A_161, %dma_wait3A_162] : memref<102400x64xf32, #tpu.memory_space<hbm>> -> memref<256x64xf32, #tpu.memory_space<hbm>>
      %dma_wait3A_164 = arith.constant 0 : i32
      %dma_wait3A_165 = arith.constant 0 : i32
      %dma_wait3A_166 = tpu.memref_slice %arg6[%dma_wait3A_156, %dma_wait3A_164, %dma_wait3A_165] : memref<2x256x64xf32, #tpu.memory_space<vmem>> -> memref<1x256x64xf32, #tpu.memory_space<vmem>>
      %dma_wait3A_167 = tpu.memref_squeeze %dma_wait3A_166 : memref<1x256x64xf32, #tpu.memory_space<vmem>> -> memref<256x64xf32, #tpu.memory_space<vmem>>
      %dma_wait3A_168 = arith.constant 0 : i32
      %dma_wait3A_169 = arith.constant 0 : i32
      %dma_wait3A_170 = tpu.memref_slice %arg2[%dma_wait3A_168, %dma_wait3A_169] : memref<102400x64xf32, #tpu.memory_space<hbm>> -> memref<256x64xf32, #tpu.memory_space<hbm>>
      tpu.wait_dma2 semaphore(%arg8 : memref<!tpu.dma_semaphore, #tpu.memory_space<semaphore_mem>>) src(%dma_wait3A_170 : memref<256x64xf32, #tpu.memory_space<hbm>>) dst(%dma_wait3A_167 : memref<256x64xf32, #tpu.memory_space<vmem>>)
      %mul3A_171 = arith.constant 256 : i32
      %mul3A_172 = arith.muli %add3A_155, %mul3A_171 : i32
      %add3A_173 = arith.addi %mul3A_2, %mul3A_172 : i32
      %dma_start3A_174 = arith.constant 1 : i32
      %dma_start3A_175 = arith.constant 0 : i32
      %dma_start3A_176 = arith.constant 0 : i32
      %dma_start3A_177 = tpu.memref_slice %arg6[%dma_start3A_174, %dma_start3A_175, %dma_start3A_176] : memref<2x256x64xf32, #tpu.memory_space<vmem>> -> memref<1x256x64xf32, #tpu.memory_space<vmem>>
      %dma_start3A_178 = tpu.memref_squeeze %dma_start3A_177 : memref<1x256x64xf32, #tpu.memory_space<vmem>> -> memref<256x64xf32, #tpu.memory_space<vmem>>
      %dma_start3A_179 = arith.constant 0 : i32
      %dma_start3A_180 = tpu.memref_slice %arg4[%add3A_173, %dma_start3A_179] : memref<3276800x128xf32, #tpu.memory_space<hbm>> -> memref<256x64xf32, #tpu.memory_space<hbm>>
      %dma_start3A_181 = arith.constant 0 : i32
      %dma_start3A_182 = tpu.memref_slice %arg4[%add3A_173, %dma_start3A_181] : memref<3276800x128xf32, #tpu.memory_space<hbm>> -> memref<256x64xf32, #tpu.memory_space<hbm>>
      %dma_start3A_183 = arith.constant 0 : i32
      %dma_start3A_184 = arith.constant 0 : i32
      %dma_start3A_185 = tpu.memref_slice %arg6[%dma_start3A_174, %dma_start3A_183, %dma_start3A_184] : memref<2x256x64xf32, #tpu.memory_space<vmem>> -> memref<1x256x64xf32, #tpu.memory_space<vmem>>
      %dma_start3A_186 = tpu.memref_squeeze %dma_start3A_185 : memref<1x256x64xf32, #tpu.memory_space<vmem>> -> memref<256x64xf32, #tpu.memory_space<vmem>>
      tpu.enqueue_dma source(%dma_start3A_186 : memref<256x64xf32, #tpu.memory_space<vmem>>) target(%dma_start3A_182 : memref<256x64xf32, #tpu.memory_space<hbm>>) target_semaphore(%arg10 : memref<!tpu.dma_semaphore, #tpu.memory_space<semaphore_mem>>)
      %add3A_187 = arith.constant 2 : i32
      %add3A_188 = arith.addi %add3A_155, %add3A_187 : i32
      %jit3A_189 = arith.constant 8 : i32
      %eq3A_190 = arith.constant 0 : i32
      %eq3A_191 = arith.cmpi eq, %jit3A_189, %eq3A_190 : i32
      %jit3A_192 = arith.constant 1 : i32
      %select_n3A_193 = arith.select %eq3A_191, %jit3A_192, %jit3A_189 : i32
      %rem3A_194 = arith.remsi %add3A_188, %select_n3A_193 : i32
      %ne3A_195 = arith.constant 0 : i32
      %ne3A_196 = arith.cmpi ne, %rem3A_194, %ne3A_195 : i32
      %lt3A_197 = arith.constant 0 : i32
      %lt3A_198 = arith.cmpi slt, %rem3A_194, %lt3A_197 : i32
      %lt3A_199 = arith.constant 0 : i32
      %lt3A_200 = arith.cmpi slt, %select_n3A_193, %lt3A_199 : i32
      %ne3A_201 = arith.xori %lt3A_198, %lt3A_200 : i1
      %and3A_202 = arith.andi %ne3A_201, %ne3A_196 : i1
      %add3A_203 = arith.addi %rem3A_194, %select_n3A_193 : i32
      %select_n3A_204 = arith.select %and3A_202, %add3A_203, %rem3A_194 : i32
      %eq3A_205 = arith.constant 0 : i32
      %eq3A_206 = arith.cmpi eq, %select_n3A_204, %eq3A_205 : i32
      %add3A_207 = arith.constant 2 : i32
      %add3A_208 = arith.addi %add3A_155, %add3A_207 : i32
      %jit3A_209 = arith.constant 8 : i32
      %div3A_210 = arith.divsi %add3A_208, %jit3A_209 : i32
      %sign3A_211 = arith.constant 0 : i32
      %sign3A_212 = arith.cmpi sgt, %add3A_208, %sign3A_211 : i32
      %sign3A_213 = arith.extui %sign3A_212 : i1 to i32
      %sign3A_214 = arith.constant 0 : i32
      %sign3A_215 = arith.cmpi slt, %add3A_208, %sign3A_214 : i32
      %sign3A_216 = arith.extui %sign3A_215 : i1 to i32
      %sign3A_217 = arith.subi %sign3A_213, %sign3A_216 : i32
      %sign3A_218 = arith.constant 0 : i32
      %sign3A_219 = arith.cmpi sgt, %jit3A_209, %sign3A_218 : i32
      %sign3A_220 = arith.extui %sign3A_219 : i1 to i32
      %sign3A_221 = arith.constant 0 : i32
      %sign3A_222 = arith.cmpi slt, %jit3A_209, %sign3A_221 : i32
      %sign3A_223 = arith.extui %sign3A_222 : i1 to i32
      %sign3A_224 = arith.subi %sign3A_220, %sign3A_223 : i32
      %ne3A_225 = arith.cmpi ne, %sign3A_217, %sign3A_224 : i32
      %rem3A_226 = arith.remsi %add3A_208, %jit3A_209 : i32
      %ne3A_227 = arith.constant 0 : i32
      %ne3A_228 = arith.cmpi ne, %rem3A_226, %ne3A_227 : i32
      %and3A_229 = arith.andi %ne3A_225, %ne3A_228 : i1
      %sub3A_230 = arith.constant 1 : i32
      %sub3A_231 = arith.subi %div3A_210, %sub3A_230 : i32
      %select_n3A_232 = arith.select %and3A_229, %sub3A_231, %div3A_210 : i32
      %lt3A_233 = arith.constant 50 : i32
      %lt3A_234 = arith.cmpi slt, %select_n3A_232, %lt3A_233 : i32
      %and3A_235 = arith.andi %eq3A_206, %lt3A_234 : i1
      %convert_element_type3A_236 = arith.extui %and3A_235 : i1 to i32
      %cond3A_237 = arith.constant 0 : i32
      %cond3A_238 = arith.cmpi ne, %convert_element_type3A_236, %cond3A_237 : i32
      scf.if %cond3A_238 {
        %add3A_259 = arith.constant 2 : i32
        %add3A_260 = arith.addi %add3A_155, %add3A_259 : i32
        %jit3A_261 = arith.constant 8 : i32
        %div3A_262 = arith.divsi %add3A_260, %jit3A_261 : i32
        %sign3A_263 = arith.constant 0 : i32
        %sign3A_264 = arith.cmpi sgt, %add3A_260, %sign3A_263 : i32
        %sign3A_265 = arith.extui %sign3A_264 : i1 to i32
        %sign3A_266 = arith.constant 0 : i32
        %sign3A_267 = arith.cmpi slt, %add3A_260, %sign3A_266 : i32
        %sign3A_268 = arith.extui %sign3A_267 : i1 to i32
        %sign3A_269 = arith.subi %sign3A_265, %sign3A_268 : i32
        %sign3A_270 = arith.constant 0 : i32
        %sign3A_271 = arith.cmpi sgt, %jit3A_261, %sign3A_270 : i32
        %sign3A_272 = arith.extui %sign3A_271 : i1 to i32
        %sign3A_273 = arith.constant 0 : i32
        %sign3A_274 = arith.cmpi slt, %jit3A_261, %sign3A_273 : i32
        %sign3A_275 = arith.extui %sign3A_274 : i1 to i32
        %sign3A_276 = arith.subi %sign3A_272, %sign3A_275 : i32
        %ne3A_277 = arith.cmpi ne, %sign3A_269, %sign3A_276 : i32
        %rem3A_278 = arith.remsi %add3A_260, %jit3A_261 : i32
        %ne3A_279 = arith.constant 0 : i32
        %ne3A_280 = arith.cmpi ne, %rem3A_278, %ne3A_279 : i32
        %and3A_281 = arith.andi %ne3A_277, %ne3A_280 : i1
        %sub3A_282 = arith.constant 1 : i32
        %sub3A_283 = arith.subi %div3A_262, %sub3A_282 : i32
        %select_n3A_284 = arith.select %and3A_281, %sub3A_283, %div3A_262 : i32
        %add3A_285 = arith.constant 2 : i32
        %add3A_286 = arith.addi %add3A_155, %add3A_285 : i32
        %jit3A_287 = arith.constant 8 : i32
        %div3A_288 = arith.divsi %add3A_286, %jit3A_287 : i32
        %sign3A_289 = arith.constant 0 : i32
        %sign3A_290 = arith.cmpi sgt, %add3A_286, %sign3A_289 : i32
        %sign3A_291 = arith.extui %sign3A_290 : i1 to i32
        %sign3A_292 = arith.constant 0 : i32
        %sign3A_293 = arith.cmpi slt, %add3A_286, %sign3A_292 : i32
        %sign3A_294 = arith.extui %sign3A_293 : i1 to i32
        %sign3A_295 = arith.subi %sign3A_291, %sign3A_294 : i32
        %sign3A_296 = arith.constant 0 : i32
        %sign3A_297 = arith.cmpi sgt, %jit3A_287, %sign3A_296 : i32
        %sign3A_298 = arith.extui %sign3A_297 : i1 to i32
        %sign3A_299 = arith.constant 0 : i32
        %sign3A_300 = arith.cmpi slt, %jit3A_287, %sign3A_299 : i32
        %sign3A_301 = arith.extui %sign3A_300 : i1 to i32
        %sign3A_302 = arith.subi %sign3A_298, %sign3A_301 : i32
        %ne3A_303 = arith.cmpi ne, %sign3A_295, %sign3A_302 : i32
        %rem3A_304 = arith.remsi %add3A_286, %jit3A_287 : i32
        %ne3A_305 = arith.constant 0 : i32
        %ne3A_306 = arith.cmpi ne, %rem3A_304, %ne3A_305 : i32
        %and3A_307 = arith.andi %ne3A_303, %ne3A_306 : i1
        %sub3A_308 = arith.constant 1 : i32
        %sub3A_309 = arith.subi %div3A_288, %sub3A_308 : i32
        %select_n3A_310 = arith.select %and3A_307, %sub3A_309, %div3A_288 : i32
        %jit3A_311 = arith.constant 2 : i32
        %eq3A_312 = arith.constant 0 : i32
        %eq3A_313 = arith.cmpi eq, %jit3A_311, %eq3A_312 : i32
        %jit3A_314 = arith.constant 1 : i32
        %select_n3A_315 = arith.select %eq3A_313, %jit3A_314, %jit3A_311 : i32
        %rem3A_316 = arith.remsi %select_n3A_310, %select_n3A_315 : i32
        %ne3A_317 = arith.constant 0 : i32
        %ne3A_318 = arith.cmpi ne, %rem3A_316, %ne3A_317 : i32
        %lt3A_319 = arith.constant 0 : i32
        %lt3A_320 = arith.cmpi slt, %rem3A_316, %lt3A_319 : i32
        %lt3A_321 = arith.constant 0 : i32
        %lt3A_322 = arith.cmpi slt, %select_n3A_315, %lt3A_321 : i32
        %ne3A_323 = arith.xori %lt3A_320, %lt3A_322 : i1
        %and3A_324 = arith.andi %ne3A_323, %ne3A_318 : i1
        %add3A_325 = arith.addi %rem3A_316, %select_n3A_315 : i32
        %select_n3A_326 = arith.select %and3A_324, %add3A_325, %rem3A_316 : i32
        %mul3A_327 = arith.constant 2048 : i32
        %mul3A_328 = arith.muli %select_n3A_284, %mul3A_327 : i32
        %add3A_329 = arith.addi %mul3A_2, %mul3A_328 : i32
        "tpu.region"() ({
          %run_scoped3A_330 = tpu.sem_alloc : memref<!tpu.dma_semaphore, #tpu.memory_space<semaphore_mem>>
          %dma_start3A_331 = arith.constant 0 : i32
          %dma_start3A_332 = tpu.memref_slice %arg5[%select_n3A_326, %dma_start3A_331] : memref<2x2048xi32, #tpu.memory_space<vmem>> -> memref<1x2048xi32, #tpu.memory_space<vmem>>
          %dma_start3A_333 = tpu.memref_squeeze %dma_start3A_332 : memref<1x2048xi32, #tpu.memory_space<vmem>> -> memref<2048xi32, #tpu.memory_space<vmem>>
          %dma_start3A_334 = tpu.memref_slice %arg3[%add3A_329] : memref<3276800xi32, #tpu.memory_space<hbm>> -> memref<2048xi32, #tpu.memory_space<hbm>>
          %dma_start3A_335 = arith.constant 0 : i32
          %dma_start3A_336 = tpu.memref_slice %arg5[%select_n3A_326, %dma_start3A_335] : memref<2x2048xi32, #tpu.memory_space<vmem>> -> memref<1x2048xi32, #tpu.memory_space<vmem>>
          %dma_start3A_337 = tpu.memref_squeeze %dma_start3A_336 : memref<1x2048xi32, #tpu.memory_space<vmem>> -> memref<2048xi32, #tpu.memory_space<vmem>>
          %dma_start3A_338 = tpu.memref_slice %arg3[%add3A_329] : memref<3276800xi32, #tpu.memory_space<hbm>> -> memref<2048xi32, #tpu.memory_space<hbm>>
          tpu.enqueue_dma source(%dma_start3A_338 : memref<2048xi32, #tpu.memory_space<hbm>>) target(%dma_start3A_337 : memref<2048xi32, #tpu.memory_space<vmem>>) target_semaphore(%run_scoped3A_330 : memref<!tpu.dma_semaphore, #tpu.memory_space<semaphore_mem>>)
          %dma_wait3A_339 = arith.constant 0 : i32
          %dma_wait3A_340 = tpu.memref_slice %arg5[%select_n3A_326, %dma_wait3A_339] : memref<2x2048xi32, #tpu.memory_space<vmem>> -> memref<1x2048xi32, #tpu.memory_space<vmem>>
          %dma_wait3A_341 = tpu.memref_squeeze %dma_wait3A_340 : memref<1x2048xi32, #tpu.memory_space<vmem>> -> memref<2048xi32, #tpu.memory_space<vmem>>
          %dma_wait3A_342 = tpu.memref_slice %arg3[%add3A_329] : memref<3276800xi32, #tpu.memory_space<hbm>> -> memref<2048xi32, #tpu.memory_space<hbm>>
          %dma_wait3A_343 = arith.constant 0 : i32
          %dma_wait3A_344 = tpu.memref_slice %arg5[%select_n3A_326, %dma_wait3A_343] : memref<2x2048xi32, #tpu.memory_space<vmem>> -> memref<1x2048xi32, #tpu.memory_space<vmem>>
          %dma_wait3A_345 = tpu.memref_squeeze %dma_wait3A_344 : memref<1x2048xi32, #tpu.memory_space<vmem>> -> memref<2048xi32, #tpu.memory_space<vmem>>
          %dma_wait3A_346 = tpu.memref_slice %arg3[%add3A_329] : memref<3276800xi32, #tpu.memory_space<hbm>> -> memref<2048xi32, #tpu.memory_space<hbm>>
          tpu.wait_dma2 semaphore(%run_scoped3A_330 : memref<!tpu.dma_semaphore, #tpu.memory_space<semaphore_mem>>) src(%dma_wait3A_346 : memref<2048xi32, #tpu.memory_space<hbm>>) dst(%dma_wait3A_345 : memref<2048xi32, #tpu.memory_space<vmem>>)
          tpu.yield
        }) : () -> ()
      } else {
      }
      %dma_wait3A_239 = arith.constant 1 : i32
      %dma_wait3A_240 = arith.constant 0 : i32
      %dma_wait3A_241 = arith.constant 0 : i32
      %dma_wait3A_242 = tpu.memref_slice %arg6[%dma_wait3A_239, %dma_wait3A_240, %dma_wait3A_241] : memref<2x256x64xf32, #tpu.memory_space<vmem>> -> memref<1x256x64xf32, #tpu.memory_space<vmem>>
      %dma_wait3A_243 = tpu.memref_squeeze %dma_wait3A_242 : memref<1x256x64xf32, #tpu.memory_space<vmem>> -> memref<256x64xf32, #tpu.memory_space<vmem>>
      %dma_wait3A_244 = arith.constant 0 : i32
      %dma_wait3A_245 = tpu.memref_slice %arg4[%add3A_173, %dma_wait3A_244] : memref<3276800x128xf32, #tpu.memory_space<hbm>> -> memref<256x64xf32, #tpu.memory_space<hbm>>
      %dma_wait3A_246 = arith.constant 0 : i32
      %dma_wait3A_247 = tpu.memref_slice %arg4[%add3A_173, %dma_wait3A_246] : memref<3276800x128xf32, #tpu.memory_space<hbm>> -> memref<256x64xf32, #tpu.memory_space<hbm>>
      %dma_wait3A_248 = arith.constant 0 : i32
      %dma_wait3A_249 = arith.constant 0 : i32
      %dma_wait3A_250 = tpu.memref_slice %arg6[%dma_wait3A_239, %dma_wait3A_248, %dma_wait3A_249] : memref<2x256x64xf32, #tpu.memory_space<vmem>> -> memref<1x256x64xf32, #tpu.memory_space<vmem>>
      %dma_wait3A_251 = tpu.memref_squeeze %dma_wait3A_250 : memref<1x256x64xf32, #tpu.memory_space<vmem>> -> memref<256x64xf32, #tpu.memory_space<vmem>>
      tpu.wait_dma2 semaphore(%arg10 : memref<!tpu.dma_semaphore, #tpu.memory_space<semaphore_mem>>) src(%dma_wait3A_251 : memref<256x64xf32, #tpu.memory_space<vmem>>) dst(%dma_wait3A_247 : memref<256x64xf32, #tpu.memory_space<hbm>>)
      %add3A_252 = arith.constant 2 : i32
      %add3A_253 = arith.addi %add3A_155, %add3A_252 : i32
      %lt3A_254 = arith.constant 400 : i32
      %lt3A_255 = arith.cmpi slt, %add3A_253, %lt3A_254 : i32
      %convert_element_type3A_256 = arith.extui %lt3A_255 : i1 to i32
      %cond3A_257 = arith.constant 0 : i32
      %cond3A_258 = arith.cmpi ne, %convert_element_type3A_256, %cond3A_257 : i32
      scf.if %cond3A_258 {
        %add3A_259 = arith.constant 2 : i32
        %add3A_260 = arith.addi %add3A_155, %add3A_259 : i32
        %jit3A_261 = arith.constant 8 : i32
        %div3A_262 = arith.divsi %add3A_260, %jit3A_261 : i32
        %sign3A_263 = arith.constant 0 : i32
        %sign3A_264 = arith.cmpi sgt, %add3A_260, %sign3A_263 : i32
        %sign3A_265 = arith.extui %sign3A_264 : i1 to i32
        %sign3A_266 = arith.constant 0 : i32
        %sign3A_267 = arith.cmpi slt, %add3A_260, %sign3A_266 : i32
        %sign3A_268 = arith.extui %sign3A_267 : i1 to i32
        %sign3A_269 = arith.subi %sign3A_265, %sign3A_268 : i32
        %sign3A_270 = arith.constant 0 : i32
        %sign3A_271 = arith.cmpi sgt, %jit3A_261, %sign3A_270 : i32
        %sign3A_272 = arith.extui %sign3A_271 : i1 to i32
        %sign3A_273 = arith.constant 0 : i32
        %sign3A_274 = arith.cmpi slt, %jit3A_261, %sign3A_273 : i32
        %sign3A_275 = arith.extui %sign3A_274 : i1 to i32
        %sign3A_276 = arith.subi %sign3A_272, %sign3A_275 : i32
        %ne3A_277 = arith.cmpi ne, %sign3A_269, %sign3A_276 : i32
        %rem3A_278 = arith.remsi %add3A_260, %jit3A_261 : i32
        %ne3A_279 = arith.constant 0 : i32
        %ne3A_280 = arith.cmpi ne, %rem3A_278, %ne3A_279 : i32
        %and3A_281 = arith.andi %ne3A_277, %ne3A_280 : i1
        %sub3A_282 = arith.constant 1 : i32
        %sub3A_283 = arith.subi %div3A_262, %sub3A_282 : i32
        %select_n3A_284 = arith.select %and3A_281, %sub3A_283, %div3A_262 : i32
        %jit3A_285 = arith.constant 2 : i32
        %eq3A_286 = arith.constant 0 : i32
        %eq3A_287 = arith.cmpi eq, %jit3A_285, %eq3A_286 : i32
        %jit3A_288 = arith.constant 1 : i32
        %select_n3A_289 = arith.select %eq3A_287, %jit3A_288, %jit3A_285 : i32
        %rem3A_290 = arith.remsi %select_n3A_284, %select_n3A_289 : i32
        %ne3A_291 = arith.constant 0 : i32
        %ne3A_292 = arith.cmpi ne, %rem3A_290, %ne3A_291 : i32
        %lt3A_293 = arith.constant 0 : i32
        %lt3A_294 = arith.cmpi slt, %rem3A_290, %lt3A_293 : i32
        %lt3A_295 = arith.constant 0 : i32
        %lt3A_296 = arith.cmpi slt, %select_n3A_289, %lt3A_295 : i32
        %ne3A_297 = arith.xori %lt3A_294, %lt3A_296 : i1
        %and3A_298 = arith.andi %ne3A_297, %ne3A_292 : i1
        %add3A_299 = arith.addi %rem3A_290, %select_n3A_289 : i32
        %select_n3A_300 = arith.select %and3A_298, %add3A_299, %rem3A_290 : i32
        %jit3A_301 = arith.constant 8 : i32
        %eq3A_302 = arith.constant 0 : i32
        %eq3A_303 = arith.cmpi eq, %jit3A_301, %eq3A_302 : i32
        %jit3A_304 = arith.constant 1 : i32
        %select_n3A_305 = arith.select %eq3A_303, %jit3A_304, %jit3A_301 : i32
        %rem3A_306 = arith.remsi %add3A_260, %select_n3A_305 : i32
        %ne3A_307 = arith.constant 0 : i32
        %ne3A_308 = arith.cmpi ne, %rem3A_306, %ne3A_307 : i32
        %lt3A_309 = arith.constant 0 : i32
        %lt3A_310 = arith.cmpi slt, %rem3A_306, %lt3A_309 : i32
        %lt3A_311 = arith.constant 0 : i32
        %lt3A_312 = arith.cmpi slt, %select_n3A_305, %lt3A_311 : i32
        %ne3A_313 = arith.xori %lt3A_310, %lt3A_312 : i1
        %and3A_314 = arith.andi %ne3A_313, %ne3A_308 : i1
        %add3A_315 = arith.addi %rem3A_306, %select_n3A_305 : i32
        %select_n3A_316 = arith.select %and3A_314, %add3A_315, %rem3A_306 : i32
        %mul3A_317 = arith.constant 256 : i32
        %mul3A_318 = arith.muli %select_n3A_316, %mul3A_317 : i32
        %add3A_319 = arith.constant 0 : i32
        %add3A_320 = arith.addi %mul3A_318, %add3A_319 : i32
        %dma_start3A_321 = arith.constant 1 : i32
        %dma_start3A_322 = arith.constant 0 : i32
        %dma_start3A_323 = arith.constant 0 : i32
        %dma_start3A_324 = tpu.memref_slice %arg6[%dma_start3A_321, %dma_start3A_322, %dma_start3A_323] : memref<2x256x64xf32, #tpu.memory_space<vmem>> -> memref<1x128x64xf32, #tpu.memory_space<vmem>>
        %dma_start3A_325 = tpu.memref_squeeze %dma_start3A_324 : memref<1x128x64xf32, #tpu.memory_space<vmem>> -> memref<128x64xf32, #tpu.memory_space<vmem>>
        %dma_start3A_326 = tpu.memref_slice %arg5[%select_n3A_300, %add3A_320] : memref<2x2048xi32, #tpu.memory_space<vmem>> -> memref<1x128xi32, #tpu.memory_space<vmem>>
        %dma_start3A_327 = tpu.memref_squeeze %dma_start3A_326 : memref<1x128xi32, #tpu.memory_space<vmem>> -> memref<128xi32, #tpu.memory_space<vmem>>
        %dma_start3A_328 = arith.constant 0 : i32
        %dma_start3A_329 = arith.constant 0 : i32
        %dma_start3A_330 = tpu.memref_slice %arg2[%dma_start3A_328, %dma_start3A_329] : memref<102400x64xf32, #tpu.memory_space<hbm>> -> memref<102400x64xf32, #tpu.memory_space<hbm>>
        tpu.enqueue_indirect_dma source(%dma_start3A_330 : memref<102400x64xf32, #tpu.memory_space<hbm>>) target(%dma_start3A_325 : memref<128x64xf32, #tpu.memory_space<vmem>>) offsets(%dma_start3A_327 : memref<128xi32, #tpu.memory_space<vmem>>) semaphore(%arg8 : memref<!tpu.dma_semaphore, #tpu.memory_space<semaphore_mem>>)
        %add3A_331 = arith.constant 128 : i32
        %add3A_332 = arith.addi %mul3A_318, %add3A_331 : i32
        %dma_start3A_333 = arith.constant 1 : i32
        %dma_start3A_334 = arith.constant 128 : i32
        %dma_start3A_335 = arith.constant 0 : i32
        %dma_start3A_336 = tpu.memref_slice %arg6[%dma_start3A_333, %dma_start3A_334, %dma_start3A_335] : memref<2x256x64xf32, #tpu.memory_space<vmem>> -> memref<1x128x64xf32, #tpu.memory_space<vmem>>
        %dma_start3A_337 = tpu.memref_squeeze %dma_start3A_336 : memref<1x128x64xf32, #tpu.memory_space<vmem>> -> memref<128x64xf32, #tpu.memory_space<vmem>>
        %dma_start3A_338 = tpu.memref_slice %arg5[%select_n3A_300, %add3A_332] : memref<2x2048xi32, #tpu.memory_space<vmem>> -> memref<1x128xi32, #tpu.memory_space<vmem>>
        %dma_start3A_339 = tpu.memref_squeeze %dma_start3A_338 : memref<1x128xi32, #tpu.memory_space<vmem>> -> memref<128xi32, #tpu.memory_space<vmem>>
        %dma_start3A_340 = arith.constant 0 : i32
        %dma_start3A_341 = arith.constant 0 : i32
        %dma_start3A_342 = tpu.memref_slice %arg2[%dma_start3A_340, %dma_start3A_341] : memref<102400x64xf32, #tpu.memory_space<hbm>> -> memref<102400x64xf32, #tpu.memory_space<hbm>>
        tpu.enqueue_indirect_dma source(%dma_start3A_342 : memref<102400x64xf32, #tpu.memory_space<hbm>>) target(%dma_start3A_337 : memref<128x64xf32, #tpu.memory_space<vmem>>) offsets(%dma_start3A_339 : memref<128xi32, #tpu.memory_space<vmem>>) semaphore(%arg8 : memref<!tpu.dma_semaphore, #tpu.memory_space<semaphore_mem>>)
      } else {
      }
    }
    %scan3A_56 = arith.constant 200 : i32
    return
  }
}

</mosaic_0001>

<sc_bundles>
// kernel: kernel.4.cloned.1.call-start
scs
__scs_entry_jumppad:
0x0: {  	(pc) =	sbr.rel $0x88, $3  }
0x1: {  	(tag) =	ssettag $0x0;
	lr =	simm.s32 $0x1  }
0x2: {  	[smem:$0x3F9E] =	sst lr;
	_ =	strace $0xD0000000  }
0x3: {  	_ = 	snop  }
0x4: {  	_ = 	snop  }
0x5: {  	_ = 	snop  }
0x6: {  	_ = 	snop  }
0x7: {  	_ = 	snop  }
__scs_overlays_trampoline_lowered:
0x8: {  	[smem:$0x3FAD] =	sst s0  }
0x9: {  	[smem:$0x3FAE] =	sst s1  }
0xa: {  	[smem:$0x3FAF] =	sst s2  }
0xb: {  	[smem:$0x3FB0] =	sst s3  }
0xc: {  	[smem:$0x3FB1] =	sst s4  }
0xd: {  	[smem:$0x3FB2] =	sst s5  }
0xe: {  	[smem:$0x3FB3] =	sst s6  }
0xf: {  	[smem:$0x3FB4] =	sst s7  }
0x10: {  	[smem:$0x3FB5] =	sst s8  }
0x11: {  	[smem:$0x3FB6] =	sst s9;
	s0 =	simm.s32 @!p0 $0x0  }
0x12: {  	s1 =	sld [smem:$0x3F9C];
	s0 =	simm.s32 @p0 $0x1  }
0x13: {  	[smem:$0x3FB7] =	sst s0;
	s0 =	simm.s32 @!p1 $0x0  }
0x14: {  	s2 =	sld [smem:$0x3F9B];
	s0 =	simm.s32 @p1 $0x1  }
0x15: {  	[smem:$0x3FB8] =	sst s0;
	s0 =	simm.s32 @!p2 $0x0  }
0x16: {  	s3 =	sld [smem:$0x3FDB];
	s0 =	simm.s32 @p2 $0x1  }
0x17: {  	s4 =	simm.s32 $0x1BF5;
	[smem:$0x3FBA] =	sst s0  }
0x18: {  	s0 =	sld [smem:$0x3F9D];
	_ =	swait.ge [sflag:s4], $0x0  }
0x19: {  	s7 =	sld [smem:$0x3F9E]  }
0x1a: {  	s8 =	sadd.s32 $0xFFFFE003, lr  }
0x1b: {  	s9 =	sadd.s32 $0xFFFFFEF7, lr;
	s5 =	simm.s32 $0xFFFFFFFF;
	p2 =	slt.u32 s8, $0xFFFFF086  }
0x1c: {  	p1 =	slt.u32 s9, $0xF7A;
	s5 =	simm.s32 @!p2 $0x0  }
0x1d: {  	s5 =	simm.s32 @p1 $0x1;
	p0 =	seq.s32 s7, s2  }
0x1e: {  	s7 =	smul.u32 @!p0 $0xF7A, s2;
	p2 =	seq.s32 @!p0 s5, $0x0  }
0x1f: {  	s9 =	smul.u32 $0xF7A, s1;
	s8 =	simm.s32 @!p0 $0x1BF5;
	p2 =	por !p2, p0  }
0x20: {  	[sflag:s8] =	ssyncset.s32 @!p0 $0xFFFFF086;
	s6 =	sadd.s32 @!p0 s3, s7;
	s7 =	simm.s32 @!p0 $0x108  }
0x21: {  	s3 =	sadd.s32 s3, s9;
	s6 =	sadd.s32 @!p0 $0x88, s6;
	s7 =	simm.s32 @p2 $0x1082  }
0x22: {  	[simem:s7], [sflag:s8] =	dma.local @!p0 [hbm:s6], $0xF7A  }
0x23: {  	s9 =	sor.u32 $0xD0000000, s2;
	s6 =	simm.s32 $0x108;
	_ =	swait.ge @!p0 [sflag:s8], $0x0  }
0x24: {  	s3 =	sadd.s32 $0x88, s3;
	s6 =	simm.s32 @!p1 $0x1082;
	[sflag:s4] =	ssyncset.s32 $0xFFFFF086  }
0x25: {  	[simem:s6], [sflag:s4] =	dma.local [hbm:s3], $0xF7A  }
0x26: {  	[smem:$0x3F9E] =	sst s1;
	(tag) =	ssettag s2;
	_ =	strace s9  }
0x27: {  	s1 =	sld [smem:$0x3FAE]  }
0x28: {  	s2 =	sld [smem:$0x3FAF]  }
0x29: {  	s4 =	sld [smem:$0x3FB1]  }
0x2a: {  	p0 =	seq.s32 s5, $0x0;
	s5 =	sld [smem:$0x3FB2]  }
0x2b: {  	s6 =	sld [smem:$0x3FB3]  }
0x2c: {  	s7 =	sld [smem:$0x3FB4]  }
0x2d: {  	s3 =	simm.s32 $0x108;
	s8 =	sld [smem:$0x3FB5]  }
0x2e: {  	s3 =	simm.s32 @!p0 $0x1082;
	s9 =	sld [smem:$0x3FB6]  }
0x2f: {  	lr =	sadd.s32 s0, s3;
	s0 =	sld [smem:$0x3FAD]  }
0x30: {  	s3 =	sld [smem:$0x3FB0]  }
0x31: {  	[smem:$0x3FB9] =	sst s10  }
0x32: {  	s10 =	sld [smem:$0x3FB7];
	_ =	sdelay $0x3  }
0x33: {  	p0 =	seq.s32 s10, $0x1;
	s10 =	sld [smem:$0x3FB9];
	_ =	sdelay $0x3  }
0x34: {  	[smem:$0x3FB9] =	sst s10  }
0x35: {  	s10 =	sld [smem:$0x3FB8];
	_ =	sdelay $0x3  }
0x36: {  	p1 =	seq.s32 s10, $0x1;
	s10 =	sld [smem:$0x3FB9];
	_ =	sdelay $0x3  }
0x37: {  	[smem:$0x3FB9] =	sst s10  }
0x38: {  	s10 =	sld [smem:$0x3FBA]  }
0x39: {  	_ = 	snop;
	(pc) =	sbr.ind lr, $3  }
0x3a: {  	_ = 	snop  }
0x3b: {  	_ = 	snop  }
0x3c: {  	p2 =	seq.s32 s10, $0x1;
	s10 =	sld [smem:$0x3FB9]  }
0x3d: {  	_ =	shalt  }
0x3e: {  	_ =	shalt  }
0x3f: {  	_ =	shalt  }
0x40: {  	_ =	shalt  }
0x41: {  	_ =	shalt  }
0x42: {  	_ =	shalt  }
0x43: {  	_ =	shalt  }
0x44: {  	_ =	shalt  }
0x45: {  	_ =	shalt  }
0x46: {  	_ =	shalt  }
0x47: {  	_ =	shalt  }
0x48: {  	_ =	shalt  }
0x49: {  	_ =	shalt  }
0x4a: {  	_ =	shalt  }
0x4b: {  	_ =	shalt  }
0x4c: {  	_ =	shalt  }
0x4d: {  	_ =	shalt  }
0x4e: {  	_ =	shalt  }
0x4f: {  	_ =	shalt  }
0x50: {  	_ =	shalt  }
0x51: {  	_ =	shalt  }
0x52: {  	_ =	shalt  }
0x53: {  	_ =	shalt  }
0x54: {  	_ =	shalt  }
0x55: {  	_ =	shalt  }
0x56: {  	_ =	shalt  }
0x57: {  	_ =	shalt  }
0x58: {  	_ =	shalt  }
0x59: {  	_ =	shalt  }
0x5a: {  	_ =	shalt  }
0x5b: {  	_ =	shalt  }
0x5c: {  	_ =	shalt  }
0x5d: {  	_ =	shalt  }
0x5e: {  	_ =	shalt  }
0x5f: {  	_ =	shalt  }
0x60: {  	_ =	shalt  }
0x61: {  	_ =	shalt  }
0x62: {  	_ =	shalt  }
0x63: {  	_ =	shalt  }
0x64: {  	_ =	shalt  }
0x65: {  	_ =	shalt  }
0x66: {  	_ =	shalt  }
0x67: {  	_ =	shalt  }
0x68: {  	_ =	shalt  }
0x69: {  	_ =	shalt  }
0x6a: {  	_ =	shalt  }
0x6b: {  	_ =	shalt  }
0x6c: {  	_ =	shalt  }
0x6d: {  	_ =	shalt  }
0x6e: {  	_ =	shalt  }
0x6f: {  	_ =	shalt  }
0x70: {  	_ =	shalt  }
0x71: {  	_ =	shalt  }
0x72: {  	_ =	shalt  }
0x73: {  	_ =	shalt  }
0x74: {  	_ =	shalt  }
0x75: {  	_ =	shalt  }
0x76: {  	_ =	shalt  }
0x77: {  	_ =	shalt  }
0x78: {  	_ =	shalt  }
0x79: {  	_ =	shalt  }
0x7a: {  	_ =	shalt  }
0x7b: {  	_ =	shalt  }
0x7c: {  	_ =	shalt  }
0x7d: {  	_ =	shalt  }
0x7e: {  	_ =	shalt  }
0x7f: {  	_ =	shalt  }
0x80: {  	_ =	shalt  }
0x81: {  	_ =	shalt  }
0x82: {  	_ =	shalt  }
0x83: {  	_ =	shalt  }
0x84: {  	_ =	shalt  }
0x85: {  	_ =	shalt  }
0x86: {  	_ =	shalt  }
0x87: {  	_ =	shalt  }
.Lfunc_end0:
.L_simem_size_0:
called_computation.1_lowered:
.L_overlay_start_0:
0x88: {  	s2 =	sld [smem:$0x3FD9]  }
0x89: {  	s3 =	sld [smem:$0x3FFE];
	_ =	sdelay $0x1  }
0x8a: {  	s1 =	srdreg.scid  }
0x8b: {  	s0 =	sand.u32 $0x1, s1  }
0x8c: {  	s17 =	sshll.u32 s0, $0xA;
	s2 =	sadd.s32 s3, s2  }
0x8d: {  	s2 =	sadd.s32 s2, s17  }
0x8e: {  	[smem:$0x3FC5] =	sst s2  }
0x8f: {  	_ = 	snop  }
0x90: {  	s2 =	sld [smem:$0x3FD0];
	(tm) =	ssettm $0x1  }
0x91: {  	s18 =	sld [smem:$0x3FFB];
	_ =	sdelay $0x3  }
0x92: {  	_ =	strace s18  }
0x93: {  	s3 =	sld [smem:$0x3FFC];
	_ =	sdelay $0x3  }
0x94: {  	_ =	strace s3  }
0x95: {  	s3 =	sld [smem:$0x3FFD];
	_ =	sdelay $0x3  }
0x96: {  	_ =	strace s3  }
0x97: {  	_ =	strace $0x8FFFFFFF  }
0x98: {  	s19 =	sld [smem:$0x3FDB];
	_ =	sdelay $0x1  }
0x99: {  	s4 =	simm.s32 $_scs_section_size  }
0x9a: {  	s5 =	simm.s32 $_size__tile_overlayer_lowered;
	s6 =	simm.s32 $_tile_overlayer_lowered  }
0x9b: {  	s22 =	simm.s32 $0x1BFF;
	s21 =	sshll.u32 s6, $0x1;
	s3 =	sadd.s32 s4, s19  }
0x9c: {  	s7 =	simm.s32 $0x0;
	s20 =	sshll.u32 s5, $0x1;
	s5 =	sadd.s32 s21, s3  }
0x9d: {  	[timem:s7], [sflag:s22] =	dma.local [hbm:s5], s20  }
0x9e: {  	_ =	swait.ge [sflag:s22], s20  }
0x9f: {  	s4 =	ssub.s32 $0x0, s20;
	[sflag:s22] =	ssyncset.done $0x0  }
0xa0: {  	[sflag:s22] =	ssyncadd.s32 s4;
	_ =	sdelay $0x1  }
0xa1: {  	s23 =	simm.s32 $0x1B8B  }
0xa2: {  	_ =	swait.ge [sflag:s23], $0x1  }
0xa3: {  	[sflag:s23] =	ssyncset.done $0x0  }
0xa4: {  	s25 =	simm.s32 $0x1B8E;
	s24 =	sld [smem:$0x3FFE];
	[sflag:s23] =	ssyncadd.s32 $0xFFFFFFFF  }
0xa5: {  	s26 =	simm.s32 $execute0_lowered;
	[smem:$0x3FD2] =	sst s25  }
0xa6: {  	s5 =	sshll.u32 s26, $0x1;
	_ =	strace $0x80000046;
	[dreg:$0x1] =	wrdreg $0xFFFFFFFF  }
0xa7: {  	s28 =	simm.s32 $_size_execute0_lowered;
	s3 =	sadd.s32 s3, s5;
	[dreg:$0x0] =	wrdreg $0x0  }
0xa8: {  	s5 =	sshll.u32 s28, $0x1;
	[dreg:$0x2] =	wrdreg s3  }
0xa9: {  	[dreg:$0x3] =	wrdreg s5  }
0xaa: {  	[dreg:$0x4] =	wrdreg $0xC0  }
0xab: {  	_ =	task [dreg:s7], $0x5FFFF  }
0xac: {  	[dreg:$0x1] =	wrdreg $0xFFFFFFFF  }
0xad: {  	[dreg:$0x0] =	wrdreg $0x60  }
0xae: {  	[dreg:$0x2] =	wrdreg s24  }
0xaf: {  	[dreg:$0x3] =	wrdreg s2  }
0xb0: {  	[dreg:$0x4] =	wrdreg $0x9  }
0xb1: {  	_ =	task.clear_ibuf [dreg:s7], $0x5FFFF;
	_ =	strace $0x90000046  }
0xb2: {  	s29 =	simm.s32 $0x9;
	_ =	strace $0x80000048  }
0xb3: {  	_ =	swait.ge [sflag:s29], $0x1  }
0xb4: {  	[sflag:s29] =	ssyncadd.s32 $0xFFFFFFFF  }
0xb5: {  	_ =	strace $0x90000048  }
0xb6: {  	_ =	sfence  }
0xb7: {  	s30 =	sld [smem:$0x0];
	_ =	sdelay $0x2  }
0xb8: {  	s31 =	sshll.u32 s1, $0xD;
	s1 =	sshrl.u32 s1, $0x2  }
0xb9: {  	s3 =	sand.u32 $0x4000, s31;
	s1 =	sadd.s32 s1, s30  }
0xba: {  	s0 =	sor.u32 s3, s0;
	s1 =	sshll.u32 s1, $0x11  }
0xbb: {  	s0 =	sor.u32 s1, s0  }
0xbc: {  	s0 =	sadd.s32 $0x8F2B, s0  }
0xbd: {  	[sflag:s0] =	ssyncadd.remote.s32 $0x1  }
0xbe: {  	_ =	sfence.sel $0xFFFF  }
0xbf: {  	[dreg:$0x0] =	wrdreg $0xFFFFFFFF;
	(pc) =	sbr.abs _section_cstart, $3  }
0xc0: {  	[dreg:$0x1] =	wrdreg $0xFFFFFFFF  }
0xc1: {  	_ =	task.clear_ibuf [dreg:s7], $0x2FFFF;
	_ =	strace $0x9FFFFFFF  }
0xc2: {  	(tm) =	ssettm $0x7FFFFFFF  }
0xc3: {  	_ =	shalt  }
tec
execute0_lowered:
.L_overlay_start_1:
0x0: {  	(tag) =	ssettag $0x1  }
0x1: {  	s4 =	rddreg [dreg:$0x0]  }
0x2: {  	s5 =	rddreg [dreg:$0x1]  }
0x3: {  	s0 =	rddreg [dreg:$0x2];
	s1 =	stileid.u32  }
0x4: {  	s3 =	srdreg.scid;
	s2 =	simm.s32 $0x0;
	s7 =	smul.u32 $0x1900, s1  }
0x5: {  	s6 =	sand.u32 $0x1, s3;
	[smem:$0x7FF] =	sst s2;
	s10 =	smul.u32 $0xC800, s1  }
0x6: {  	s3 =	sadd.s32 $0x1E00, s4;
	s8 =	smul.u32 $0xC80, s6;
	s9 =	ssub.s32 $0x2, s6  }
0x7: {  	_ =	strace $0x80000047;
	s6 =	smul.u32 $0x6400, s6;
	s31 =	sshrl.u32 s9, $0x1  }
0x8: {  	s5 =	sadd.s32 s10, s5;
	s10 =	simm.s32 $0x0;
	s7 =	sadd.s32 s8, s7  }
0x9: {  	s8 =	ssub.s32 s9, s31;
	s5 =	sadd.s32 s6, s5;
	s7 =	sshrl.u32 s7, $0x3  }
0xa: {  	s9 =	simm.s32 $0x1;
	s7 =	sadd.s32 s7, s4;
	s4 =	smax.u32 s8, $0x1  }
0xb: {  	s8 =	simm.s32 $0x80;
	s6 =	sadd.s32 $0xC5400, s7;
	s7 =	simm.s32 $0x2  }
.LBB2_1:
0xc: {  	s11 =	sadd.s32 $0x0, s6  }
0xd: {  	[tilespmem:s2], [sflag:$0x2] =	stream.linear.gather [hbm4b:s11+s2], $0x80, $0x38;
	[tilespmem:$0x2080] =	vst v63  }
0xe: {  	_ =	swait.ge [sflag:s7], $0x80  }
0xf: {  	[sflag:s7] =	ssyncset.done $0x0  }
0x10: {  	[sflag:s7] =	ssyncadd.s32 $0xFFFFFF80  }
0x11: {  	[tilespmem:s8], [sflag:$0x1] =	stream.indirect.gather [hbm4b:s3+s8], $0x40, s2, s8, $0xb8;
	[tilespmem:$0x2080] =	vst v63  }
0x12: {  	_ =	swait.ge [sflag:s9], $0x2000  }
0x13: {  	[sflag:s9] =	ssyncset.done $0x0  }
0x14: {  	[sflag:s9] =	ssyncadd.s32 $0xFFFFE000  }
0x15: {  	[hbm4b:s5+s2] =	stream.linear.scatter [tilespmem:s8], [sflag:$0x2], $0x2000, $0x38;
	[tilespmem:$0x2080] =	vst v63  }
0x16: {  	s12 =	simm.s32 $0x10;
	_ =	swait.ge [sflag:s7], $0x2000  }
0x17: {  	s13 =	simm.s32 $0x20;
	s11 =	sadd.s32 $0x400, s5;
	[sflag:s7] =	ssyncset.done $0x0  }
.LBB2_2:
0x18: {  	s14 =	sadd.s32 s12, s6  }
0x19: {  	[sflag:s7] =	ssyncadd.s32 $0xFFFFE000;
	s12 =	smov.u32 s13;
	s15 =	sadd.s32 $0x10, s13  }
0x1a: {  	[tilespmem:s2], [sflag:$0x2] =	stream.linear.gather [hbm4b:s14+s2], $0x80, $0x38;
	[tilespmem:$0x2080] =	vst v63  }
0x1b: {  	p0 =	sne.s32 s13, $0x180;
	_ =	swait.ge [sflag:s7], $0x80  }
0x1c: {  	[sflag:s7] =	ssyncset.done $0x0  }
0x1d: {  	[sflag:s7] =	ssyncadd.s32 $0xFFFFFF80  }
0x1e: {  	[tilespmem:s8], [sflag:$0x1] =	stream.indirect.gather [hbm4b:s3+s8], $0x40, s2, s8, $0xb8;
	[tilespmem:$0x2080] =	vst v63  }
0x1f: {  	_ =	swait.ge [sflag:s9], $0x2000  }
.Ltmp0:
0x20: {  	[sflag:s9] =	ssyncset.done $0x0;
	(pc) =	sbr.rel @p0 .LBB2_2-.Ltmp0, $4  }
0x21: {  	[sflag:s9] =	ssyncadd.s32 $0xFFFFE000  }
0x22: {  	[hbm4b:s11+s2] =	stream.linear.scatter [tilespmem:s8], [sflag:$0x2], $0x2000, $0x38;
	[tilespmem:$0x2080] =	vst v63  }
0x23: {  	_ =	swait.ge [sflag:s7], $0x2000  }
0x24: {  	s13 =	smov.u32 s15;
	s11 =	sadd.s32 $0x400, s11;
	[sflag:s7] =	ssyncset.done $0x0  }
0x25: {  	s12 =	sadd.s32 s12, s6;
	[sflag:s7] =	ssyncadd.s32 $0xFFFFE000  }
0x26: {  	[tilespmem:s2], [sflag:$0x2] =	stream.linear.gather [hbm4b:s12+s2], $0x80, $0x38;
	[tilespmem:$0x2080] =	vst v63  }
0x27: {  	_ =	swait.ge [sflag:s7], $0x80  }
0x28: {  	[sflag:s7] =	ssyncset.done $0x0  }
0x29: {  	[sflag:s7] =	ssyncadd.s32 $0xFFFFFF80  }
0x2a: {  	[tilespmem:s8], [sflag:$0x1] =	stream.indirect.gather [hbm4b:s3+s8], $0x40, s2, s8, $0xb8;
	[tilespmem:$0x2080] =	vst v63  }
0x2b: {  	s10 =	sadd.s32 $0x1, s10;
	_ =	swait.ge [sflag:s9], $0x2000  }
0x2c: {  	p0 =	sne.s32 s10, s4;
	[sflag:s9] =	ssyncset.done $0x0  }
.Ltmp1:
0x2d: {  	[sflag:s9] =	ssyncadd.s32 $0xFFFFE000;
	(pc) =	sbr.rel @p0 .LBB2_1-.Ltmp1, $4  }
0x2e: {  	[hbm4b:s11+s2] =	stream.linear.scatter [tilespmem:s8], [sflag:$0x2], $0x2000, $0x38;
	[tilespmem:$0x2080] =	vst v63  }
0x2f: {  	_ =	swait.ge [sflag:s7], $0x2000  }
0x30: {  	[sflag:s7] =	ssyncset.done $0x0  }
0x31: {  	[sflag:s7] =	ssyncadd.s32 $0xFFFFE000  }
0x32: {  	_ =	sfence.sel $0x180000  }
0x33: {  	[bflag:$0x0] =	sbarrier.arrive $0xFFFF  }
0x34: {  	p0 =	sne.s32 s1, $0x0;
	_ =	strace $0x90000047  }
0x35: {  	s0 =	sadd.s32 @!p0 $0x100000, s0;
	[bflag:$0x2] =	sbarrier.arrive $0xFFFF  }
0x36: {  	[sflag:s0] =	ssyncadd.tile.s32 @!p0 $0x1;
	_ =	shalt  }
.Lfunc_end2:
_tile_overlayer_lowered:
.L_overlay_start_2:
0x37: {  	(tag) =	ssettag $0x2  }
0x38: {  	s0 =	rddreg [dreg:$0x0];
	s2 =	stileid.u32  }
0x39: {  	s1 =	rddreg [dreg:$0x1];
	p0 =	sne.s32 s2, $0x0  }
0x3a: {  	s3 =	rddreg [dreg:$0x2];
	[bflag:$0x3] =	sbarrier.arrive $0xFFFF;
	s2 =	simm.s32 @!p0 $0x1C02  }
0x3b: {  	[timem:s3], [sflag:s2] =	dma.local @!p0 [hbm:s0], s1  }
0x3c: {  	s0 =	simm.s32 @!p0 $0x2  }
0x3d: {  	_ =	swait.ge @!p0 [sflag:s0], s1  }
0x3e: {  	s1 =	ssub.s32 @!p0 $0x0, s1;
	[sflag:s0] =	ssyncset.done @!p0 $0x0  }
0x3f: {  	[sflag:s0] =	ssyncadd.s32 @!p0 s1  }
0x40: {  	[bflag:$0x3] =	sbarrier.arrive $0xFFFF  }
0x41: {  	_ =	shalt  }

// kernel: kernel.7.cloned.1.call-start
scs
__scs_entry_jumppad:
0x0: {  	(pc) =	sbr.rel $0x88, $3  }
0x1: {  	(tag) =	ssettag $0x0;
	lr =	simm.s32 $0x1  }
0x2: {  	[smem:$0x3F9E] =	sst lr;
	_ =	strace $0xD0000000  }
0x3: {  	_ = 	snop  }
0x4: {  	_ = 	snop  }
0x5: {  	_ = 	snop  }
0x6: {  	_ = 	snop  }
0x7: {  	_ = 	snop  }
__scs_overlays_trampoline_lowered:
0x8: {  	[smem:$0x3FAD] =	sst s0  }
0x9: {  	[smem:$0x3FAE] =	sst s1  }
0xa: {  	[smem:$0x3FAF] =	sst s2  }
0xb: {  	[smem:$0x3FB0] =	sst s3  }
0xc: {  	[smem:$0x3FB1] =	sst s4  }
0xd: {  	[smem:$0x3FB2] =	sst s5  }
0xe: {  	[smem:$0x3FB3] =	sst s6  }
0xf: {  	[smem:$0x3FB4] =	sst s7  }
0x10: {  	[smem:$0x3FB5] =	sst s8  }
0x11: {  	[smem:$0x3FB6] =	sst s9;
	s0 =	simm.s32 @!p0 $0x0  }
0x12: {  	s1 =	sld [smem:$0x3F9C];
	s0 =	simm.s32 @p0 $0x1  }
0x13: {  	[smem:$0x3FB7] =	sst s0;
	s0 =	simm.s32 @!p1 $0x0  }
0x14: {  	s2 =	sld [smem:$0x3F9B];
	s0 =	simm.s32 @p1 $0x1  }
0x15: {  	[smem:$0x3FB8] =	sst s0;
	s0 =	simm.s32 @!p2 $0x0  }
0x16: {  	s3 =	sld [smem:$0x3FDB];
	s0 =	simm.s32 @p2 $0x1  }
0x17: {  	s4 =	simm.s32 $0x1BF5;
	[smem:$0x3FBA] =	sst s0  }
0x18: {  	s0 =	sld [smem:$0x3F9D];
	_ =	swait.ge [sflag:s4], $0x0  }
0x19: {  	s7 =	sld [smem:$0x3F9E]  }
0x1a: {  	s8 =	sadd.s32 $0xFFFFE003, lr  }
0x1b: {  	s9 =	sadd.s32 $0xFFFFFEF7, lr;
	s5 =	simm.s32 $0xFFFFFFFF;
	p2 =	slt.u32 s8, $0xFFFFF086  }
0x1c: {  	p1 =	slt.u32 s9, $0xF7A;
	s5 =	simm.s32 @!p2 $0x0  }
0x1d: {  	s5 =	simm.s32 @p1 $0x1;
	p0 =	seq.s32 s7, s2  }
0x1e: {  	s7 =	smul.u32 @!p0 $0xF7A, s2;
	p2 =	seq.s32 @!p0 s5, $0x0  }
0x1f: {  	s9 =	smul.u32 $0xF7A, s1;
	s8 =	simm.s32 @!p0 $0x1BF5;
	p2 =	por !p2, p0  }
0x20: {  	[sflag:s8] =	ssyncset.s32 @!p0 $0xFFFFF086;
	s6 =	sadd.s32 @!p0 s3, s7;
	s7 =	simm.s32 @!p0 $0x108  }
0x21: {  	s3 =	sadd.s32 s3, s9;
	s6 =	sadd.s32 @!p0 $0x88, s6;
	s7 =	simm.s32 @p2 $0x1082  }
0x22: {  	[simem:s7], [sflag:s8] =	dma.local @!p0 [hbm:s6], $0xF7A  }
0x23: {  	s9 =	sor.u32 $0xD0000000, s2;
	s6 =	simm.s32 $0x108;
	_ =	swait.ge @!p0 [sflag:s8], $0x0  }
0x24: {  	s3 =	sadd.s32 $0x88, s3;
	s6 =	simm.s32 @!p1 $0x1082;
	[sflag:s4] =	ssyncset.s32 $0xFFFFF086  }
0x25: {  	[simem:s6], [sflag:s4] =	dma.local [hbm:s3], $0xF7A  }
0x26: {  	[smem:$0x3F9E] =	sst s1;
	(tag) =	ssettag s2;
	_ =	strace s9  }
0x27: {  	s1 =	sld [smem:$0x3FAE]  }
0x28: {  	s2 =	sld [smem:$0x3FAF]  }
0x29: {  	s4 =	sld [smem:$0x3FB1]  }
0x2a: {  	p0 =	seq.s32 s5, $0x0;
	s5 =	sld [smem:$0x3FB2]  }
0x2b: {  	s6 =	sld [smem:$0x3FB3]  }
0x2c: {  	s7 =	sld [smem:$0x3FB4]  }
0x2d: {  	s3 =	simm.s32 $0x108;
	s8 =	sld [smem:$0x3FB5]  }
0x2e: {  	s3 =	simm.s32 @!p0 $0x1082;
	s9 =	sld [smem:$0x3FB6]  }
0x2f: {  	lr =	sadd.s32 s0, s3;
	s0 =	sld [smem:$0x3FAD]  }
0x30: {  	s3 =	sld [smem:$0x3FB0]  }
0x31: {  	[smem:$0x3FB9] =	sst s10  }
0x32: {  	s10 =	sld [smem:$0x3FB7];
	_ =	sdelay $0x3  }
0x33: {  	p0 =	seq.s32 s10, $0x1;
	s10 =	sld [smem:$0x3FB9];
	_ =	sdelay $0x3  }
0x34: {  	[smem:$0x3FB9] =	sst s10  }
0x35: {  	s10 =	sld [smem:$0x3FB8];
	_ =	sdelay $0x3  }
0x36: {  	p1 =	seq.s32 s10, $0x1;
	s10 =	sld [smem:$0x3FB9];
	_ =	sdelay $0x3  }
0x37: {  	[smem:$0x3FB9] =	sst s10  }
0x38: {  	s10 =	sld [smem:$0x3FBA]  }
0x39: {  	_ = 	snop;
	(pc) =	sbr.ind lr, $3  }
0x3a: {  	_ = 	snop  }
0x3b: {  	_ = 	snop  }
0x3c: {  	p2 =	seq.s32 s10, $0x1;
	s10 =	sld [smem:$0x3FB9]  }
0x3d: {  	_ =	shalt  }
0x3e: {  	_ =	shalt  }
0x3f: {  	_ =	shalt  }
0x40: {  	_ =	shalt  }
0x41: {  	_ =	shalt  }
0x42: {  	_ =	shalt  }
0x43: {  	_ =	shalt  }
0x44: {  	_ =	shalt  }
0x45: {  	_ =	shalt  }
0x46: {  	_ =	shalt  }
0x47: {  	_ =	shalt  }
0x48: {  	_ =	shalt  }
0x49: {  	_ =	shalt  }
0x4a: {  	_ =	shalt  }
0x4b: {  	_ =	shalt  }
0x4c: {  	_ =	shalt  }
0x4d: {  	_ =	shalt  }
0x4e: {  	_ =	shalt  }
0x4f: {  	_ =	shalt  }
0x50: {  	_ =	shalt  }
0x51: {  	_ =	shalt  }
0x52: {  	_ =	shalt  }
0x53: {  	_ =	shalt  }
0x54: {  	_ =	shalt  }
0x55: {  	_ =	shalt  }
0x56: {  	_ =	shalt  }
0x57: {  	_ =	shalt  }
0x58: {  	_ =	shalt  }
0x59: {  	_ =	shalt  }
0x5a: {  	_ =	shalt  }
0x5b: {  	_ =	shalt  }
0x5c: {  	_ =	shalt  }
0x5d: {  	_ =	shalt  }
0x5e: {  	_ =	shalt  }
0x5f: {  	_ =	shalt  }
0x60: {  	_ =	shalt  }
0x61: {  	_ =	shalt  }
0x62: {  	_ =	shalt  }
0x63: {  	_ =	shalt  }
0x64: {  	_ =	shalt  }
0x65: {  	_ =	shalt  }
0x66: {  	_ =	shalt  }
0x67: {  	_ =	shalt  }
0x68: {  	_ =	shalt  }
0x69: {  	_ =	shalt  }
0x6a: {  	_ =	shalt  }
0x6b: {  	_ =	shalt  }
0x6c: {  	_ =	shalt  }
0x6d: {  	_ =	shalt  }
0x6e: {  	_ =	shalt  }
0x6f: {  	_ =	shalt  }
0x70: {  	_ =	shalt  }
0x71: {  	_ =	shalt  }
0x72: {  	_ =	shalt  }
0x73: {  	_ =	shalt  }
0x74: {  	_ =	shalt  }
0x75: {  	_ =	shalt  }
0x76: {  	_ =	shalt  }
0x77: {  	_ =	shalt  }
0x78: {  	_ =	shalt  }
0x79: {  	_ =	shalt  }
0x7a: {  	_ =	shalt  }
0x7b: {  	_ =	shalt  }
0x7c: {  	_ =	shalt  }
0x7d: {  	_ =	shalt  }
0x7e: {  	_ =	shalt  }
0x7f: {  	_ =	shalt  }
0x80: {  	_ =	shalt  }
0x81: {  	_ =	shalt  }
0x82: {  	_ =	shalt  }
0x83: {  	_ =	shalt  }
0x84: {  	_ =	shalt  }
0x85: {  	_ =	shalt  }
0x86: {  	_ =	shalt  }
0x87: {  	_ =	shalt  }
.Lfunc_end0:
.L_simem_size_0:
called_computation.2_lowered:
.L_overlay_start_0:
0x88: {  	s2 =	sld [smem:$0x3FD9]  }
0x89: {  	s3 =	sld [smem:$0x3FFE];
	_ =	sdelay $0x1  }
0x8a: {  	s1 =	srdreg.scid  }
0x8b: {  	s0 =	sand.u32 $0x1, s1  }
0x8c: {  	s17 =	sshll.u32 s0, $0xA;
	s2 =	sadd.s32 s3, s2  }
0x8d: {  	s2 =	sadd.s32 s2, s17  }
0x8e: {  	[smem:$0x3FC5] =	sst s2  }
0x8f: {  	_ = 	snop  }
0x90: {  	s2 =	sld [smem:$0x3FD0];
	(tm) =	ssettm $0x1  }
0x91: {  	s18 =	sld [smem:$0x3FFB];
	_ =	sdelay $0x3  }
0x92: {  	_ =	strace s18  }
0x93: {  	s3 =	sld [smem:$0x3FFC];
	_ =	sdelay $0x3  }
0x94: {  	_ =	strace s3  }
0x95: {  	s3 =	sld [smem:$0x3FFD];
	_ =	sdelay $0x3  }
0x96: {  	_ =	strace s3  }
0x97: {  	_ =	strace $0x8FFFFFFF  }
0x98: {  	s19 =	sld [smem:$0x3FDB];
	_ =	sdelay $0x1  }
0x99: {  	s4 =	simm.s32 $_scs_section_size  }
0x9a: {  	s5 =	simm.s32 $_size__tile_overlayer_lowered;
	s6 =	simm.s32 $_tile_overlayer_lowered  }
0x9b: {  	s22 =	simm.s32 $0x1BFF;
	s21 =	sshll.u32 s6, $0x1;
	s3 =	sadd.s32 s4, s19  }
0x9c: {  	s7 =	simm.s32 $0x0;
	s20 =	sshll.u32 s5, $0x1;
	s5 =	sadd.s32 s21, s3  }
0x9d: {  	[timem:s7], [sflag:s22] =	dma.local [hbm:s5], s20  }
0x9e: {  	_ =	swait.ge [sflag:s22], s20  }
0x9f: {  	s4 =	ssub.s32 $0x0, s20;
	[sflag:s22] =	ssyncset.done $0x0  }
0xa0: {  	[sflag:s22] =	ssyncadd.s32 s4;
	_ =	sdelay $0x1  }
0xa1: {  	s23 =	simm.s32 $0x1B8B  }
0xa2: {  	_ =	swait.ge [sflag:s23], $0x1  }
0xa3: {  	[sflag:s23] =	ssyncset.done $0x0  }
0xa4: {  	s25 =	simm.s32 $0x1B8E;
	s24 =	sld [smem:$0x3FFE];
	[sflag:s23] =	ssyncadd.s32 $0xFFFFFFFF  }
0xa5: {  	s26 =	simm.s32 $execute0_lowered;
	[smem:$0x3FD2] =	sst s25  }
0xa6: {  	s5 =	sshll.u32 s26, $0x1;
	_ =	strace $0x80000049;
	[dreg:$0x1] =	wrdreg $0xFFFFFFFF  }
0xa7: {  	s28 =	simm.s32 $_size_execute0_lowered;
	s3 =	sadd.s32 s3, s5;
	[dreg:$0x0] =	wrdreg $0x0  }
0xa8: {  	s5 =	sshll.u32 s28, $0x1;
	[dreg:$0x2] =	wrdreg s3  }
0xa9: {  	[dreg:$0x3] =	wrdreg s5  }
0xaa: {  	[dreg:$0x4] =	wrdreg $0xC0  }
0xab: {  	_ =	task [dreg:s7], $0x5FFFF  }
0xac: {  	[dreg:$0x1] =	wrdreg $0xFFFFFFFF  }
0xad: {  	[dreg:$0x0] =	wrdreg $0x60  }
0xae: {  	[dreg:$0x2] =	wrdreg s2  }
0xaf: {  	[dreg:$0x3] =	wrdreg s24  }
0xb0: {  	[dreg:$0x4] =	wrdreg $0x9  }
0xb1: {  	_ =	task.clear_ibuf [dreg:s7], $0x5FFFF;
	_ =	strace $0x90000049  }
0xb2: {  	s29 =	simm.s32 $0x9;
	_ =	strace $0x8000004B  }
0xb3: {  	_ =	swait.ge [sflag:s29], $0x1  }
0xb4: {  	[sflag:s29] =	ssyncadd.s32 $0xFFFFFFFF  }
0xb5: {  	_ =	strace $0x9000004B  }
0xb6: {  	_ =	sfence  }
0xb7: {  	s30 =	sld [smem:$0x0];
	_ =	sdelay $0x2  }
0xb8: {  	s31 =	sshll.u32 s1, $0xD;
	s1 =	sshrl.u32 s1, $0x2  }
0xb9: {  	s3 =	sand.u32 $0x4000, s31;
	s1 =	sadd.s32 s1, s30  }
0xba: {  	s0 =	sor.u32 s3, s0;
	s1 =	sshll.u32 s1, $0x11  }
0xbb: {  	s0 =	sor.u32 s1, s0  }
0xbc: {  	s0 =	sadd.s32 $0x8F2B, s0  }
0xbd: {  	[sflag:s0] =	ssyncadd.remote.s32 $0x1  }
0xbe: {  	_ =	sfence.sel $0xFFFF  }
0xbf: {  	[dreg:$0x0] =	wrdreg $0xFFFFFFFF;
	(pc) =	sbr.abs _section_cstart, $3  }
0xc0: {  	[dreg:$0x1] =	wrdreg $0xFFFFFFFF  }
0xc1: {  	_ =	task.clear_ibuf [dreg:s7], $0x2FFFF;
	_ =	strace $0x9FFFFFFF  }
0xc2: {  	(tm) =	ssettm $0x7FFFFFFF  }
0xc3: {  	_ =	shalt  }
tec
execute0_lowered:
.L_overlay_start_1:
0x0: {  	(tag) =	ssettag $0x1  }
0x1: {  	s1 =	srdreg.scid  }
0x2: {  	s0 =	stileid.u32;
	s2 =	rddreg [dreg:$0x0]  }
0x3: {  	s6 =	rddreg [dreg:$0x1];
	s25 =	simm.s32 $0x0;
	s17 =	simm.s32 $0x5000  }
0x4: {  	s19 =	simm.s32 $0x7000;
	s20 =	simm.s32 $0x1;
	s12 =	smul.u32 $0x320000, s0  }
0x5: {  	s21 =	simm.s32 $0x40;
	s7 =	sand.u32 $0x1, s1;
	s14 =	smul.u32 $0x1900000, s0  }
0x6: {  	s22 =	simm.s32 $0x3;
	s24 =	sshll.u32 s0, $0x1;
	s26 =	smul.u32 $0x190000, s7  }
0x7: {  	s23 =	simm.s32 $0x2;
	s5 =	sor.u32 s7, s24;
	s15 =	smul.u32 $0xC80000, s7  }
0x8: {  	[smem:$0x7FF] =	sst s25;
	s13 =	sadd.s32 $0x12C600, s6;
	s4 =	smul.u32 $0x19000, s5  }
0x9: {  	s25 =	simm.s32 $0x0;
	_ =	strace $0x8000004A;
	s8 =	smul.u32 $0xC80000, s5  }
0xa: {  	s9 =	ssub.s32 $0x2, s7;
	s24 =	simm.s32 $0x4;
	s10 =	smul.u32 $0x190000, s5  }
0xb: {  	s5 =	sadd.s32 $0xC8600, s6;
	s11 =	sshrl.u32 s9, $0x1;
	s29 =	sadd.s32 s12, s13  }
0xc: {  	s12 =	simm.s32 $0x5;
	s9 =	ssub.s32 s9, s11;
	s11 =	sadd.s32 s26, s29  }
0xd: {  	s30 =	sadd.s32 s15, s14;
	s14 =	simm.s32 $0x1000;
	s15 =	simm.s32 $0x3000  }
0xe: {  	s28 =	sshrl.u32 s4, $0x3;
	s8 =	sshrl.u32 s8, $0x3;
	s7 =	smax.u32 s9, $0x1  }
0xf: {  	s10 =	sadd.s32 s10, s13;
	s31 =	sshrl.u32 s30, $0x3;
	s6 =	sadd.s32 s5, s28  }
0x10: {  	s8 =	sadd.s32 s13, s8;
	s9 =	sadd.s32 $0x18F000, s10;
	s10 =	sadd.s32 $0x1000, s11  }
0x11: {  	s11 =	sadd.s32 s31, s13;
	s13 =	simm.s32 $0x80;
	s8 =	sadd.s32 $0x18E000, s8  }
.LBB2_1:
0x12: {  	s0 =	simm.s32 $0x0  }
0x13: {  	[tilespmem:s0], [sflag:$0x5] =	stream.linear.gather [hbm4b:s6+s0], $0x800, $0x38;
	[tilespmem:$0x9000] =	vst v63  }
0x14: {  	_ =	swait.ge [sflag:s12], $0x800  }
0x15: {  	[sflag:s12] =	ssyncset.done $0x0  }
0x16: {  	[sflag:s12] =	ssyncadd.s32 $0xFFFFF800  }
0x17: {  	[tilespmem:s14], [sflag:$0x1] =	stream.indirect.gather [hbm4b:s2+s13], $0x40, s0, s13, $0xb8;
	[tilespmem:$0x9000] =	vst v63  }
0x18: {  	_ = 	snop  }
0x19: {  	[tilespmem:s15], [sflag:$0x1] =	stream.indirect.gather [hbm4b:s2+s13], $0x40, s13, s13, $0xb8;
	[tilespmem:$0x9000] =	vst v63  }
0x1a: {  	s18 =	simm.s32 $0x100  }
0x1b: {  	[tilespmem:s17], [sflag:$0x2] =	stream.indirect.gather [hbm4b:s2+s13], $0x40, s18, s13, $0xb8;
	[tilespmem:$0x9000] =	vst v63  }
0x1c: {  	s26 =	simm.s32 $0x180  }
0x1d: {  	[tilespmem:s19], [sflag:$0x2] =	stream.indirect.gather [hbm4b:s2+s13], $0x40, s26, s13, $0xb8;
	[tilespmem:$0x9000] =	vst v63  }
0x1e: {  	s26 =	sand.u32 $0x6, s23  }
0x1f: {  	p0 =	sne.s32 s26, $0x0;
	_ =	swait.ge [sflag:s20], $0x4000  }
0x20: {  	s28 =	simm.s32 @!p0 $0x0;
	[sflag:s20] =	ssyncset.done $0x0;
	s29 =	sadd.s32 @!p0 $0x0, s4  }
0x21: {  	s30 =	simm.s32 @!p0 $0x0;
	[sflag:s20] =	ssyncadd.s32 $0xFFFFC000;
	s29 =	sshrl.u32 @!p0 s29, $0x3  }
0x22: {  	[hbm4b:s11+s21] =	stream.strided.scatter [tilespmem:s14], [sflag:$0x3], $0x4000, s13, s21, $0x38;
	[tilespmem:$0x9000] =	vst v63  }
0x23: {  	s31 =	simm.s32 @!p0 $0x5;
	s28 =	sand.u32 @!p0 $0x800, s28;
	s29 =	sadd.s32 @!p0 s5, s29  }
0x24: {  	[tilespmem:s28], [sflag:$0x5] =	stream.linear.gather @!p0 [hbm4b:s29+s30], $0x800, $0x38;
	[tilespmem:$0x9000] =	vst v63  }
0x25: {  	_ =	swait.ge @!p0 [sflag:s31], $0x800  }
0x26: {  	[sflag:s31] =	ssyncset.done @!p0 $0x0  }
0x27: {  	[sflag:s31] =	ssyncadd.s32 @!p0 $0xFFFFF800  }
0x28: {  	s28 =	simm.s32 $0x0;
	_ =	swait.ge [sflag:s22], $0x4000  }
0x29: {  	s26 =	sshll.u32 s26, $0x8;
	s28 =	sand.u32 $0x800, s28;
	[sflag:s22] =	ssyncset.done $0x0  }
0x2a: {  	s26 =	sor.u32 s26, s28;
	[sflag:s22] =	ssyncadd.s32 $0xFFFFC000  }
0x2b: {  	[tilespmem:s14], [sflag:$0x1] =	stream.indirect.gather [hbm4b:s2+s13], $0x40, s26, s13, $0xb8;
	[tilespmem:$0x9000] =	vst v63  }
0x2c: {  	s26 =	sor.u32 $0x80, s26  }
0x2d: {  	[tilespmem:s15], [sflag:$0x1] =	stream.indirect.gather [hbm4b:s2+s13], $0x40, s26, s13, $0xb8;
	[tilespmem:$0x9000] =	vst v63  }
0x2e: {  	_ =	swait.ge [sflag:s23], $0x4000  }
0x2f: {  	[sflag:s23] =	ssyncset.done $0x0  }
0x30: {  	s29 =	smov.u32 s10;
	s28 =	simm.s32 $0x300;
	[sflag:s23] =	ssyncadd.s32 $0xFFFFC000  }
0x31: {  	[hbm4b:s10+s21] =	stream.strided.scatter [tilespmem:s17], [sflag:$0x4], $0x4000, s13, s21, $0x38;
	[tilespmem:$0x9000] =	vst v63  }
0x32: {  	s30 =	smov.u32 s11;
	s31 =	sand.u32 $0xF00, s28;
	_ =	swait.ge [sflag:s24], $0x4000  }
0x33: {  	s28 =	simm.s32 $0x500;
	s26 =	simm.s32 $0x4;
	[sflag:s24] =	ssyncset.done $0x0  }
.LBB2_2:
0x34: {  	s29 =	sadd.s32 $0x2000, s29  }
0x35: {  	s30 =	sadd.s32 $0x2000, s30;
	s1 =	smov.u32 s26;
	s26 =	sadd.s32 $0x2, s26  }
0x36: {  	s0 =	sand.u32 $0x6, s1;
	p0 =	sne.s32 s26, $0x190;
	[sflag:s24] =	ssyncadd.s32 $0xFFFFC000  }
0x37: {  	[tilespmem:s17], [sflag:$0x2] =	stream.indirect.gather [hbm4b:s2+s13], $0x40, s31, s13, $0xb8;
	[tilespmem:$0x9000] =	vst v63  }
0x38: {  	s1 =	sshrl.u32 s1, $0x3;
	p1 =	sne.s32 s0, $0x0;
	s31 =	sor.u32 $0x80, s31  }
0x39: {  	[tilespmem:s19], [sflag:$0x2] =	stream.indirect.gather [hbm4b:s2+s13], $0x40, s31, s13, $0xb8;
	[tilespmem:$0x9000] =	vst v63  }
0x3a: {  	s31 =	sshll.u32 @!p1 s1, $0xB;
	s1 =	sshll.u32 s1, $0xB;
	_ =	swait.ge [sflag:s20], $0x4000  }
0x3b: {  	s16 =	sand.u32 @!p1 $0x800, s31;
	s31 =	sadd.s32 @!p1 s4, s31;
	[sflag:s20] =	ssyncset.done $0x0  }
0x3c: {  	s1 =	sand.u32 $0x800, s1;
	s31 =	sshrl.u32 @!p1 s31, $0x3;
	[sflag:s20] =	ssyncadd.s32 $0xFFFFC000  }
0x3d: {  	[hbm4b:s30+s21] =	stream.strided.scatter [tilespmem:s14], [sflag:$0x3], $0x4000, s13, s21, $0x38;
	[tilespmem:$0x9000] =	vst v63  }
0x3e: {  	s18 =	simm.s32 @!p1 $0x0;
	s3 =	simm.s32 @!p1 $0x5;
	s31 =	sadd.s32 @!p1 s5, s31  }
0x3f: {  	[tilespmem:s16], [sflag:$0x5] =	stream.linear.gather @!p1 [hbm4b:s31+s18], $0x800, $0x38;
	[tilespmem:$0x9000] =	vst v63  }
0x40: {  	_ =	swait.ge @!p1 [sflag:s3], $0x800  }
0x41: {  	[sflag:s3] =	ssyncset.done @!p1 $0x0  }
0x42: {  	[sflag:s3] =	ssyncadd.s32 @!p1 $0xFFFFF800  }
0x43: {  	_ =	swait.ge [sflag:s22], $0x4000  }
0x44: {  	s0 =	sshll.u32 s0, $0x8;
	[sflag:s22] =	ssyncset.done $0x0  }
0x45: {  	s0 =	sor.u32 s0, s1;
	[sflag:s22] =	ssyncadd.s32 $0xFFFFC000  }
0x46: {  	[tilespmem:s14], [sflag:$0x1] =	stream.indirect.gather [hbm4b:s2+s13], $0x40, s0, s13, $0xb8;
	[tilespmem:$0x9000] =	vst v63  }
0x47: {  	s0 =	sor.u32 $0x80, s0  }
0x48: {  	[tilespmem:s15], [sflag:$0x1] =	stream.indirect.gather [hbm4b:s2+s13], $0x40, s0, s13, $0xb8;
	[tilespmem:$0x9000] =	vst v63  }
0x49: {  	_ =	swait.ge [sflag:s23], $0x4000  }
.Ltmp0:
0x4a: {  	[sflag:s23] =	ssyncset.done $0x0;
	(pc) =	sbr.rel @p0 .LBB2_2-.Ltmp0, $4  }
0x4b: {  	[sflag:s23] =	ssyncadd.s32 $0xFFFFC000  }
0x4c: {  	[hbm4b:s29+s21] =	stream.strided.scatter [tilespmem:s17], [sflag:$0x4], $0x4000, s13, s21, $0x38;
	[tilespmem:$0x9000] =	vst v63  }
0x4d: {  	_ =	swait.ge [sflag:s24], $0x4000  }
0x4e: {  	s31 =	sand.u32 $0xF00, s28;
	s28 =	sadd.s32 $0x200, s28;
	[sflag:s24] =	ssyncset.done $0x0  }
0x4f: {  	[sflag:s24] =	ssyncadd.s32 $0xFFFFC000  }
0x50: {  	[tilespmem:s17], [sflag:$0x2] =	stream.indirect.gather [hbm4b:s2+s13], $0x40, s31, s13, $0xb8;
	[tilespmem:$0x9000] =	vst v63  }
0x51: {  	s0 =	sor.u32 $0x80, s31  }
0x52: {  	[tilespmem:s19], [sflag:$0x2] =	stream.indirect.gather [hbm4b:s2+s13], $0x40, s0, s13, $0xb8;
	[tilespmem:$0x9000] =	vst v63  }
0x53: {  	_ =	swait.ge [sflag:s20], $0x4000  }
0x54: {  	[sflag:s20] =	ssyncset.done $0x0  }
0x55: {  	[sflag:s20] =	ssyncadd.s32 $0xFFFFC000  }
0x56: {  	[hbm4b:s8+s21] =	stream.strided.scatter [tilespmem:s14], [sflag:$0x3], $0x4000, s13, s21, $0x38;
	[tilespmem:$0x9000] =	vst v63  }
0x57: {  	_ =	swait.ge [sflag:s22], $0x4000  }
0x58: {  	[sflag:s22] =	ssyncset.done $0x0  }
0x59: {  	[sflag:s22] =	ssyncadd.s32 $0xFFFFC000  }
0x5a: {  	s25 =	sadd.s32 $0x1, s25;
	_ =	swait.ge [sflag:s23], $0x4000  }
0x5b: {  	p0 =	sne.s32 s25, s7;
	[sflag:s23] =	ssyncset.done $0x0  }
.Ltmp1:
0x5c: {  	[sflag:s23] =	ssyncadd.s32 $0xFFFFC000;
	(pc) =	sbr.rel @p0 .LBB2_1-.Ltmp1, $4  }
0x5d: {  	[hbm4b:s9+s21] =	stream.strided.scatter [tilespmem:s17], [sflag:$0x4], $0x4000, s13, s21, $0x38;
	[tilespmem:$0x9000] =	vst v63  }
0x5e: {  	_ =	swait.ge [sflag:s24], $0x4000  }
0x5f: {  	[sflag:s24] =	ssyncset.done $0x0  }
0x60: {  	[sflag:s24] =	ssyncadd.s32 $0xFFFFC000  }
0x61: {  	_ =	sfence.sel $0x180000  }
0x62: {  	[bflag:$0x0] =	sbarrier.arrive $0xFFFF  }
0x63: {  	_ =	strace $0x9000004A  }
0x64: {  	s0 =	stileid.u32;
	[bflag:$0x2] =	sbarrier.arrive $0xFFFF  }
0x65: {  	p0 =	sne.s32 s0, $0x0;
	s0 =	rddreg [dreg:$0x2]  }
0x66: {  	s0 =	sadd.s32 @!p0 $0x100000, s0  }
0x67: {  	[sflag:s0] =	ssyncadd.tile.s32 @!p0 $0x1;
	_ =	shalt  }
.Lfunc_end2:
_tile_overlayer_lowered:
.L_overlay_start_2:
0x68: {  	(tag) =	ssettag $0x2  }
0x69: {  	s0 =	rddreg [dreg:$0x0];
	s2 =	stileid.u32  }
0x6a: {  	s1 =	rddreg [dreg:$0x1];
	p0 =	sne.s32 s2, $0x0  }
0x6b: {  	s3 =	rddreg [dreg:$0x2];
	[bflag:$0x3] =	sbarrier.arrive $0xFFFF;
	s2 =	simm.s32 @!p0 $0x1C05  }
0x6c: {  	[timem:s3], [sflag:s2] =	dma.local @!p0 [hbm:s0], s1  }
0x6d: {  	s0 =	simm.s32 @!p0 $0x5  }
0x6e: {  	_ =	swait.ge @!p0 [sflag:s0], s1  }
0x6f: {  	s1 =	ssub.s32 @!p0 $0x0, s1;
	[sflag:s0] =	ssyncset.done @!p0 $0x0  }
0x70: {  	[sflag:s0] =	ssyncadd.s32 @!p0 s1  }
0x71: {  	[bflag:$0x3] =	sbarrier.arrive $0xFFFF  }
0x72: {  	_ =	shalt  }

// kernel: sparse-core-data-format-call.cloned.1.call-start
scs
called_computation_lowered:
.L_overlay_start_0:
0x0: {  	s2 =	sld [smem:$0x3FD9]  }
0x1: {  	s3 =	sld [smem:$0x3FFE];
	_ =	sdelay $0x1  }
0x2: {  	s1 =	srdreg.scid  }
0x3: {  	s0 =	sand.u32 $0x1, s1  }
0x4: {  	s18 =	sshll.u32 s0, $0xA;
	s2 =	sadd.s32 s3, s2  }
0x5: {  	s2 =	sadd.s32 s2, s18  }
0x6: {  	[smem:$0x3FC5] =	sst s2  }
0x7: {  	_ = 	snop  }
0x8: {  	s2 =	sld [smem:$0x3FD0];
	(tm) =	ssettm $0x1  }
0x9: {  	s19 =	sld [smem:$0x3FFB];
	_ =	sdelay $0x3  }
0xa: {  	_ =	strace s19  }
0xb: {  	s3 =	sld [smem:$0x3FFC];
	_ =	sdelay $0x3  }
0xc: {  	_ =	strace s3  }
0xd: {  	s3 =	sld [smem:$0x3FFD];
	_ =	sdelay $0x3  }
0xe: {  	_ =	strace s3  }
0xf: {  	_ =	strace $0x8FFFFFFF  }
0x10: {  	s20 =	sld [smem:$0x3FDB];
	_ =	sdelay $0x1  }
0x11: {  	s4 =	simm.s32 $_scs_section_size  }
0x12: {  	s5 =	simm.s32 $_size__tile_overlayer_lowered;
	s6 =	simm.s32 $_tile_overlayer_lowered  }
0x13: {  	s23 =	simm.s32 $0x1BFF;
	s22 =	sshll.u32 s6, $0x1;
	s3 =	sadd.s32 s4, s20  }
0x14: {  	s7 =	simm.s32 $0x0;
	s21 =	sshll.u32 s5, $0x1;
	s5 =	sadd.s32 s22, s3  }
0x15: {  	[timem:s7], [sflag:s23] =	dma.local [hbm:s5], s21  }
0x16: {  	_ =	swait.ge [sflag:s23], s21  }
0x17: {  	s4 =	ssub.s32 $0x0, s21;
	[sflag:s23] =	ssyncset.done $0x0  }
0x18: {  	[sflag:s23] =	ssyncadd.s32 s4;
	_ =	sdelay $0x1  }
0x19: {  	s24 =	simm.s32 $0x1B8B  }
0x1a: {  	_ =	swait.ge [sflag:s24], $0x1  }
0x1b: {  	[sflag:s24] =	ssyncset.done $0x0  }
0x1c: {  	s26 =	simm.s32 $0x1B8E;
	s25 =	sld [smem:$0x3FFE];
	[sflag:s24] =	ssyncadd.s32 $0xFFFFFFFF  }
0x1d: {  	s27 =	simm.s32 $execute0_lowered;
	[smem:$0x3FD2] =	sst s26  }
0x1e: {  	s5 =	sshll.u32 s27, $0x1;
	_ =	strace $0x8000004C;
	[dreg:$0x1] =	wrdreg $0xFFFFFFFF  }
0x1f: {  	s28 =	simm.s32 $_size_execute0_lowered;
	s3 =	sadd.s32 s3, s5;
	[dreg:$0x0] =	wrdreg $0x0  }
0x20: {  	s5 =	sshll.u32 s28, $0x1;
	[dreg:$0x2] =	wrdreg s3  }
0x21: {  	[dreg:$0x3] =	wrdreg s5  }
0x22: {  	[dreg:$0x4] =	wrdreg $0xC0  }
0x23: {  	_ =	task [dreg:s7], $0x5FFFF  }
0x24: {  	[dreg:$0x1] =	wrdreg $0xFFFFFFFF  }
0x25: {  	[dreg:$0x0] =	wrdreg $0x60  }
0x26: {  	[dreg:$0x2] =	wrdreg s25  }
0x27: {  	[dreg:$0x3] =	wrdreg s2  }
0x28: {  	[dreg:$0x4] =	wrdreg $0x9  }
0x29: {  	_ =	task.clear_ibuf [dreg:s7], $0x5FFFF;
	_ =	strace $0x9000004C  }
0x2a: {  	s29 =	simm.s32 $0x9;
	_ =	strace $0x8000004E  }
0x2b: {  	_ =	swait.ge [sflag:s29], $0x1  }
0x2c: {  	[sflag:s29] =	ssyncadd.s32 $0xFFFFFFFF  }
0x2d: {  	_ =	strace $0x9000004E  }
0x2e: {  	_ =	sfence  }
0x2f: {  	s30 =	sld [smem:$0x0];
	_ =	sdelay $0x2  }
0x30: {  	s31 =	sshll.u32 s1, $0xD;
	s1 =	sshrl.u32 s1, $0x2  }
0x31: {  	s3 =	sand.u32 $0x4000, s31;
	s1 =	sadd.s32 s1, s30  }
0x32: {  	s0 =	sor.u32 s3, s0;
	s1 =	sshll.u32 s1, $0x11  }
0x33: {  	s0 =	sor.u32 s1, s0  }
0x34: {  	s0 =	sadd.s32 $0x8F2B, s0  }
0x35: {  	[sflag:s0] =	ssyncadd.remote.s32 $0x1  }
0x36: {  	_ =	sfence.sel $0xFFFF  }
0x37: {  	[dreg:$0x0] =	wrdreg $0xFFFFFFFF;
	(pc) =	sbr.abs _section_cstart, $3  }
0x38: {  	[dreg:$0x1] =	wrdreg $0xFFFFFFFF  }
0x39: {  	_ =	task.clear_ibuf [dreg:s7], $0x2FFFF;
	_ =	strace $0x9FFFFFFF  }
0x3a: {  	(tm) =	ssettm $0x7FFFFFFF  }
0x3b: {  	_ =	shalt  }
tec
execute0_lowered:
.L_overlay_start_1:
0x0: {  	(tag) =	ssettag $0x1  }
0x1: {  	s0 =	srdreg.scid  }
0x2: {  	s1 =	sshll.u32 s0, $0x4  }
0x3: {  	s0 =	stileid.u32;
	s1 =	sand.u32 $0x10, s1  }
0x4: {  	s1 =	sor.u32 s0, s1  }
0x5: {  	s6 =	rddreg [dreg:$0x0];
	s4 =	simm.s32 $0x1;
	s2 =	sshll.u32 s1, $0x7  }
0x6: {  	s7 =	simm.s32 $0x2;
	s12 =	simm.s32 $0x0;
	s1 =	ssub.s32 $0x4000, s2  }
0x7: {  	s8 =	simm.s32 $0x20000;
	s13 =	simm.s32 $0x0;
	s3 =	sand.u32 $0xF80, s1  }
0x8: {  	s9 =	simm.s32 $0x0;
	s5 =	sshrl.u32 s1, $0xC;
	p0 =	sne.s32 s3, $0x0  }
.Ltmp0:
0x9: {  	s1 =	rddreg [dreg:$0x2];
	s4 =	simm.s32 @!p0 $0x0;
	(pc) =	sbr.rel .LBB1_1-.Ltmp0, $4  }
0xa: {  	s11 =	simm.s32 $0x0;
	s3 =	rddreg [dreg:$0x1];
	s5 =	sadd.s32 s4, s5  }
0xb: {  	_ =	strace $0x8000004D;
	s4 =	simm.s32 $0x1;
	s5 =	smul.u32 $0xC8, s5  }
0xc: {  	s6 =	sadd.s32 $0x12C600, s6;
	s10 =	smov.u32 s2;
	[sflag:s4] =	ssyncpa.u1 $0x0  }
0xd: {  	p0 =	por $0x0, $0x0;
	[sflag:s7] =	ssyncpa.u1 $0x0;
	s7 =	sor.u32 $0x1, s5  }
.LBB1_4:
0xe: {  	s16 =	sshll.u32 s13, $0x3;
	s17 =	sand.u32 $0x78, s13  }
0xf: {  	s30 =	sand.u32 $0x1F800, s13;
	s12 =	sshll.u32 s12, $0x11;
	s16 =	sand.u32 $0x3C00, s16  }
0x10: {  	[tilespmem:s15+$0x810 ss:$0x81] =	vst.msk $0xffff, v2;
	s31 =	sand.u32 $0x7, s13;
	s16 =	sor.u32 s17, s16;
	s17 =	sadd.s32 s3, s30  }
0x11: {  	[tilespmem:s15+$0x1020 ss:$0x81] =	vst.msk $0xffff, v0;
	s13 =	sshll.u32 s31, $0x12;
	s12 =	sadd.s32 s12, s17;
	s16 =	sshrl.u32 s16, $0x3  }
0x12: {  	[tilespmem:s15+$0x0 ss:$0x81] =	vst.msk $0xffff, v1;
	s13 =	sor.u32 $0x400, s13;
	s12 =	sadd.s32 s16, s12  }
0x13: {  	[hbm4b:s12+s13] =	stream.strided.scatter [tilespmem:s14], [sflag:$0x2], $0x2000, s8, s13, $0x20;
	[tilespmem:$0x8080] =	vst v63  }
.LBB1_5:
0x14: {  	s14 =	sadd.s32 $0x1, s9  }
0x15: {  	s12 =	sadd.s32 $0x1000, s10;
	s16 =	smov.u32 s10;
	p2 =	sgt.s32 s14, $0xC7  }
0x16: {  	s16 =	smov.u32 @p2 s12  }
0x17: {  	s14 =	simm.s32 @p2 $0x0;
	p2 =	sgt.s32 s16, $0x3FFF  }
0x18: {  	s16 =	smov.u32 @p2 s2;
	p2 =	sne.s32 s11, s7  }
.Ltmp1:
0x19: {  	p1 =	slt.u32 s11, $0x2;
	(pc) =	sbr.rel @!p2 .LBB1_6-.Ltmp1, $4  }
0x1a: {  	s15 =	simm.s32 @!p1 $0x2  }
0x1b: {  	s13 =	smov.u32 s10;
	p0 =	por !p0, !p0;
	_ =	swait.ge @!p1 [sflag:s15], $0x2000  }
0x1c: {  	s12 =	smov.u32 s9;
	[sflag:s15] =	ssyncset.done @!p1 $0x0;
	s9 =	smov.u32 s14  }
0x1d: {  	s11 =	sadd.s32 $0x1, s11;
	[sflag:s15] =	ssyncadd.s32 @!p1 $0xFFFFE000;
	s10 =	smov.u32 s16  }
.LBB1_1:
0x1e: {  	p1 =	sge.u32 s11, s5  }
0x1f: {  	s14 =	sand.u32 @!p1 $0x1FFFFFF, s9  }
0x20: {  	s15 =	smulhi.u32 @!p1 $0x147AE15, s14;
	_ =	sdelay $0x1  }
0x21: {  	s15 =	smul.u32 @!p1 $0xC8, s15  }
0x22: {  	s16 =	sxor.u32 @!p1 $0xFFFFFFFF, s11;
	s17 =	smul.u32 @!p1 $0xC80, s10  }
0x23: {  	s31 =	sadd.s32 $0xFFFFFFFF, s11;
	s16 =	sshll.u32 @!p1 s16, $0xD;
	s14 =	ssub.s32 @!p1 s14, s15  }
0x24: {  	s15 =	sand.u32 @!p1 $0x2000, s16;
	s16 =	sadd.s32 @!p1 s6, s17;
	s14 =	sshll.u32 @!p1 s14, $0x4  }
0x25: {  	s17 =	simm.s32 @!p1 $0x6400;
	s14 =	sadd.s32 @!p1 s14, s16;
	s16 =	simm.s32 @!p1 $0x40  }
0x26: {  	[tilespmem:s15], [sflag:$0x1] =	stream.strided.gather @!p1 [hbm4b:s14+s16], $0x2000, s17, s16, $0x38;
	[tilespmem:$0x8080] =	vst v63  }
0x27: {  	p1 =	sge.u32 s31, s5  }
.Ltmp2:
0x28: {  	_ = 	snop;
	(pc) =	sbr.rel @p1 .LBB1_5-.Ltmp2, $1  }
0x29: {  	_ =	sdelay $0x3  }
0x2a: {  	s14 =	simm.s32 $0x1  }
0x2b: {  	_ =	swait.ge [sflag:s4], $0x2000;
	s14 =	simm.s32 @!p0 $0x0  }
0x2c: {  	[sflag:s4] =	ssyncset.done $0x0;
	s15 =	sshll.u32 s14, $0xD  }
0x2d: {  	[sflag:s4] =	ssyncadd.s32 $0xFFFFE000;
	s18 =	sor.u32 $0x20, s15  }
0x2e: {  	s14 =	smul.u32 $0x8100, s14;
	v3 =	vld [tilespmem:s18+$0x10]  }
0x2f: {  	s30 =	sand.u32 $0x1, s11;
	v2 =	vld [tilespmem:s18+$0xFFFFFFF0]  }
0x30: {  	s15 =	smul.u32 $0x8100, s30;
	s14 =	sshrl.u32 s14, $0x2;
	v0 =	vld [tilespmem:s18+$0x0]  }
0x31: {  	v1 =	vld [tilespmem:s18+$0xFFFFFFE0];
	s16 =	sor.u32 $0x4000, s14  }
0x32: {  	s31 =	sshrl.u32 s15, $0x2;
	s15 =	sadd.s32 $0x0, s16  }
0x33: {  	s17 =	simm.s32 $0x4;
	s18 =	sadd.s32 $0x40, s18;
	s14 =	sor.u32 $0x4000, s31;
	[tilespmem:s15+$0x1830 ss:$0x81] =	vst.msk $0xffff, v3  }
.LBB1_3:
0x34: {  	v3 =	vld [tilespmem:s18+$0x10];
	p1 =	sne.s32 s17, $0x1FC;
	[tilespmem:s15+$0x810 ss:$0x81] =	vst.msk $0xffff, v2;
	s19 =	smov.u32 s17;
	s17 =	sadd.s32 $0x4, s17  }
.Ltmp3:
0x35: {  	v2 =	vld [tilespmem:s18+$0xFFFFFFF0];
	[tilespmem:s15+$0x1020 ss:$0x81] =	vst.msk $0xffff, v0;
	(pc) =	sbr.rel @p1 .LBB1_3-.Ltmp3, $4  }
0x36: {  	v0 =	vld [tilespmem:s18+$0x0];
	[tilespmem:s15+$0x0 ss:$0x81] =	vst.msk $0xffff, v1  }
0x37: {  	s15 =	sshra.s32 s19, $0x2;
	v1 =	vld [tilespmem:s18+$0xFFFFFFE0]  }
0x38: {  	s15 =	sadd.s32 s15, s16  }
0x39: {  	s18 =	sadd.s32 $0x40, s18;
	[tilespmem:s15+$0x1830 ss:$0x81] =	vst.msk $0xffff, v3  }
.Ltmp4:
0x3a: {  	_ = 	snop;
	(pc) =	sbr.rel .LBB1_4-.Ltmp4, $1  }
0x3b: {  	_ =	sdelay $0x3  }
.LBB1_6:
0x3c: {  	_ =	sfence.sel $0x180000  }
0x3d: {  	s2 =	simm.s32 $0x1;
	[bflag:$0x0] =	sbarrier.arrive $0xFFFF  }
0x3e: {  	s31 =	simm.s32 $0x2;
	[sflag:s2] =	ssyncpa.u1 $0x1  }
0x3f: {  	[sflag:s31] =	ssyncpa.u1 $0x1  }
0x40: {  	p0 =	sne.s32 s0, $0x0;
	_ =	strace $0x9000004D  }
0x41: {  	s0 =	sadd.s32 @!p0 $0x100000, s1;
	[bflag:$0x2] =	sbarrier.arrive $0xFFFF  }
0x42: {  	[sflag:s0] =	ssyncadd.tile.s32 @!p0 $0x1;
	_ =	shalt  }
.Lfunc_end1:
_tile_overlayer_lowered:
.L_overlay_start_2:
0x43: {  	(tag) =	ssettag $0x2  }
0x44: {  	s0 =	rddreg [dreg:$0x0];
	s2 =	stileid.u32  }
0x45: {  	s1 =	rddreg [dreg:$0x1];
	p0 =	sne.s32 s2, $0x0  }
0x46: {  	s3 =	rddreg [dreg:$0x2];
	[bflag:$0x3] =	sbarrier.arrive $0xFFFF;
	s2 =	simm.s32 @!p0 $0x1C01  }
0x47: {  	[timem:s3], [sflag:s2] =	dma.local @!p0 [hbm:s0], s1  }
0x48: {  	s0 =	simm.s32 @!p0 $0x1  }
0x49: {  	_ =	swait.ge @!p0 [sflag:s0], s1  }
0x4a: {  	s1 =	ssub.s32 @!p0 $0x0, s1;
	[sflag:s0] =	ssyncset.done @!p0 $0x0  }
0x4b: {  	[sflag:s0] =	ssyncadd.s32 @!p0 s1  }
0x4c: {  	[bflag:$0x3] =	sbarrier.arrive $0xFFFF  }
0x4d: {  	_ =	shalt  }

</sc_bundles>
